<compile_context>
chip_gen: v7x
topology: tpu7x:2x2x1
jax: 0.10.2.dev20260603
libtpu: 0.0.44.dev20260713+nightly
codegen_flags: <defaults>
</compile_context>

<pallas_src>
import functools

import jax
import jax.numpy as jnp
import numpy as np
from jax import lax
from jax.experimental import pallas as pl
from jax.experimental.pallas import tpu as pltpu
from jax.experimental.pallas import tpu_sc as plsc

_CONN = np.array(
    [[1, 2, 7, 6], [2, 3, 8, 7], [3, 4, 9, 8], [4, 5, 10, 9],
     [6, 7, 12, 11], [7, 8, 13, 12], [8, 9, 14, 13], [9, 10, 15, 14],
     [11, 12, 17, 16], [12, 13, 18, 17], [13, 14, 19, 18], [14, 15, 20, 19],
     [16, 17, 22, 21], [17, 18, 23, 22], [18, 19, 24, 23], [19, 20, 25, 24]],
    dtype=np.int32)

_N_PTS = 65536
_N_CELLS = 16
_N_NODES = 25

_NC, _NS, _L = 2, 16, 16
_NW = _NC * _NS
_CHUNK = _N_PTS // _NW
_GROUPS = _CHUNK // _L

_mesh = plsc.VectorSubcoreMesh(core_axis_name="c", subcore_axis_name="s")


@functools.partial(
    pl.kernel,
    mesh=_mesh,
    out_type=jax.ShapeDtypeStruct((_N_PTS,), jnp.float32),
    compiler_params=pltpu.CompilerParams(needs_layout_passes=False),
    scratch_types=[
        pltpu.VMEM((_CHUNK,), jnp.float32),
        pltpu.VMEM((_CHUNK,), jnp.float32),
        pltpu.VMEM((_CHUNK,), jnp.int32),
        pltpu.VMEM((_CHUNK,), jnp.float32),
        pltpu.VMEM((2, _N_NODES), jnp.float32),
        pltpu.VMEM((_N_NODES,), jnp.float32),
        pltpu.VMEM((_N_CELLS,), jnp.float32),
        pltpu.VMEM((_N_CELLS,), jnp.float32),
        pltpu.VMEM((_N_CELLS,), jnp.float32),
        pltpu.VMEM((_N_CELLS,), jnp.float32),
        pltpu.VMEM((_N_CELLS,), jnp.float32),
        pltpu.VMEM((_N_CELLS,), jnp.float32),
        pltpu.SemaphoreType.DMA,
        pltpu.SemaphoreType.DMA,
        pltpu.SemaphoreType.DMA,
    ],
)
def _sc_interp(xt_hbm, cid_hbm, crd_hbm, val_hbm, out_hbm,
               x0_v, x1_v, cid_v, out_v, crd_v, val_v,
               c0_v, c1_v, c2_v, c3_v, c4_v, c5_v,
               sem0, sem1, sem2):
    wid = lax.axis_index("s") * _NC + lax.axis_index("c")
    base = wid * _CHUNK

    d0 = pltpu.async_copy(xt_hbm.at[0, pl.ds(base, _CHUNK)], x0_v, sem0)
    d0b = pltpu.async_copy(xt_hbm.at[1, pl.ds(base, _CHUNK)], x1_v, sem0)
    d1 = pltpu.async_copy(cid_hbm.at[pl.ds(base, _CHUNK)], cid_v, sem1)
    d2 = pltpu.async_copy(crd_hbm, crd_v, sem2)
    d3 = pltpu.async_copy(val_hbm, val_v, sem2)
    d2.wait()
    d3.wait()

    lane = lax.iota(jnp.int32, _L)
    b0 = 5 * (lane >> 2) + (lane & 3)
    idx = [b0, b0 + 1, b0 + 6, b0 + 5]
    row0 = jnp.zeros((_L,), jnp.int32)
    row1 = jnp.full((_L,), 1, jnp.int32)
    nx = [plsc.load_gather(crd_v, [row0, i]) for i in idx]
    ny = [plsc.load_gather(crd_v, [row1, i]) for i in idx]
    nv = [plsc.load_gather(val_v, [i]) for i in idx]

    c0 = jnp.zeros((_L,), jnp.float32)
    c1 = jnp.zeros((_L,), jnp.float32)
    c2 = jnp.zeros((_L,), jnp.float32)
    c3 = jnp.zeros((_L,), jnp.float32)
    c4 = jnp.zeros((_L,), jnp.float32)
    c5 = jnp.zeros((_L,), jnp.float32)
    for k in range(4):
        ax, ay = nx[k], ny[k]
        bx, by = nx[(k + 1) % 4], ny[(k + 1) % 4]
        ex, ey = nx[(k + 2) % 4], ny[(k + 2) % 4]
        dx, dy = nx[(k + 3) % 4], ny[(k + 3) % 4]
        bb1 = by - ey
        cc1 = ex - bx
        aa1 = -cc1 * by - bb1 * bx
        p12 = cc1 * (ay - by) + bb1 * (ax - bx)
        bb2 = dy - ey
        cc2 = ex - dx
        aa2 = -cc2 * dy - bb2 * dx
        p22 = cc2 * (ay - dy) + bb2 * (ax - dx)
        s = nv[k] / (p12 * p22)
        c0 = c0 + s * aa1 * aa2
        c1 = c1 + s * (aa1 * bb2 + bb1 * aa2)
        c2 = c2 + s * (aa1 * cc2 + cc1 * aa2)
        c3 = c3 + s * bb1 * bb2
        c4 = c4 + s * (bb1 * cc2 + cc1 * bb2)
        c5 = c5 + s * cc1 * cc2
    c0_v[...] = c0
    c1_v[...] = c1
    c2_v[...] = c2
    c3_v[...] = c3
    c4_v[...] = c4
    c5_v[...] = c5

    d0.wait()
    d0b.wait()
    d1.wait()

    @plsc.parallel_loop(0, _GROUPS, 1, unroll=8)
    def _(g):
        off = g * _L
        xx = x0_v[pl.ds(off, _L)]
        yy = x1_v[pl.ds(off, _L)]
        ci = cid_v[pl.ds(off, _L)]
        k0 = plsc.load_gather(c0_v, [ci])
        k1 = plsc.load_gather(c1_v, [ci])
        k2 = plsc.load_gather(c2_v, [ci])
        k3 = plsc.load_gather(c3_v, [ci])
        k4 = plsc.load_gather(c4_v, [ci])
        k5 = plsc.load_gather(c5_v, [ci])
        out_v[pl.ds(off, _L)] = (
            k0 + xx * (k1 + k3 * xx + k4 * yy) + yy * (k2 + k5 * yy))

    pltpu.sync_copy(out_v, out_hbm.at[pl.ds(base, _CHUNK)])


def kernel(x, cell_id, coordinates, nodal_values):
    xt = x.T
    crd = coordinates.reshape(_N_NODES, 2).T
    val = nodal_values.reshape(_N_NODES)
    cid = cell_id.astype(jnp.int32)
    return _sc_interp(xt, cid, crd, val)

# --- scband reference (transcript-rebuilt; emitter-appended) ---
"""Pipeline reference for scband-element-block2-d-lin-23656679866440 (READ-ONLY COPY).

The authoritative reference and input builder live on the scoring server;
editing this copy changes nothing except your own understanding.
"""

import jax, jax.numpy as jnp
import numpy as np

CONN = np.array([[1,2,7,6],[2,3,8,7],[3,4,9,8],[4,5,10,9],[6,7,12,11],[7,8,13,12],[8,9,14,13],[9,10,15,14],[11,12,17,16],[12,13,18,17],[13,14,19,18],[14,15,20,19],[16,17,22,21],[17,18,23,22],[18,19,24,23],[19,20,25,24]], dtype=np.int32)

N_PTS = 65536
N_NODES = 25
N_CELLS = 16


def setup_inputs(seed: int = 0) -> dict:
    key = jax.random.key(seed)
    k1, k2, k3, k4 = jax.random.split(key, 4)
    x = jax.random.uniform(k1, (N_PTS, 2), dtype=jnp.float32)
    cell_id = jax.random.randint(k2, (N_PTS,), 0, N_CELLS)
    coordinates = jax.random.uniform(k3, (N_NODES, 1, 2), dtype=jnp.float32)
    nodal_values = jax.random.normal(k4, (N_NODES, 1), dtype=jnp.float32)
    return {"x": x, "cell_id": cell_id, "coordinates": coordinates, "nodal_values": nodal_values}


def _lin_sh(x, n1, n2, n3, n4):
    pom11 = (n3[:, 0] - n2[:, 0]) * (x[:, 1] - n2[:, 1]) - (n3[:, 1] - n2[:, 1]) * (x[:, 0] - n2[:, 0])
    pom12 = (n3[:, 0] - n2[:, 0]) * (n1[:, 1] - n2[:, 1]) - (n3[:, 1] - n2[:, 1]) * (n1[:, 0] - n2[:, 0])
    pom21 = (n3[:, 0] - n4[:, 0]) * (x[:, 1] - n4[:, 1]) - (n3[:, 1] - n4[:, 1]) * (x[:, 0] - n4[:, 0])
    pom22 = (n3[:, 0] - n4[:, 0]) * (n1[:, 1] - n4[:, 1]) - (n3[:, 1] - n4[:, 1]) * (n1[:, 0] - n4[:, 0])
    return pom11 / pom12 * (pom21 / pom22)


def reference(x, cell_id, coordinates, nodal_values):
    conn = jnp.asarray(CONN)
    cell_nodes_ids = jnp.take(conn, cell_id, axis=0)  # [N, 4], 1-based node ids
    coords = coordinates.reshape(-1, 2)  # [n_nodes, 2]
    vals = nodal_values.reshape(-1)      # [n_nodes]
    n1 = jnp.take(coords, cell_nodes_ids[:, 0] - 1, axis=0)
    n2 = jnp.take(coords, cell_nodes_ids[:, 1] - 1, axis=0)
    n3 = jnp.take(coords, cell_nodes_ids[:, 2] - 1, axis=0)
    n4 = jnp.take(coords, cell_nodes_ids[:, 3] - 1, axis=0)
    v1 = jnp.take(vals, cell_nodes_ids[:, 0] - 1, axis=0)
    v2 = jnp.take(vals, cell_nodes_ids[:, 1] - 1, axis=0)
    v3 = jnp.take(vals, cell_nodes_ids[:, 2] - 1, axis=0)
    v4 = jnp.take(vals, cell_nodes_ids[:, 3] - 1, axis=0)
    sf1 = _lin_sh(x, n1, n2, n3, n4)
    sf2 = _lin_sh(x, n2, n3, n4, n1)
    sf3 = _lin_sh(x, n3, n4, n1, n2)
    sf4 = _lin_sh(x, n4, n1, n2, n3)
    interpol = sf1 * v1 + sf2 * v2 + sf3 * v3 + sf4 * v4
    return interpol

if __name__ == "__main__":
    import jax
    _d = setup_inputs()
    print(jax.jit(kernel)(*tuple(_d.values())))

</pallas_src>

<mosaic_0001>
#map = affine_map<(d0, d1) -> (0, 0)>
#map1 = affine_map<(d0, d1) -> (0)>
module attributes {stable_mosaic.version = 14 : i64} {
  func.func @_sc_interp(%arg0: i32, %arg1: i32, %arg2: memref<2x65536xf32, #tpu.memory_space<hbm>>, %arg3: memref<65536xi32, #tpu.memory_space<hbm>>, %arg4: memref<2x25xf32, #tpu.memory_space<hbm>>, %arg5: memref<25xf32, #tpu.memory_space<hbm>>, %arg6: memref<65536xf32, #tpu.memory_space<hbm>>, %arg7: memref<2048xf32, #tpu.memory_space<vmem>>, %arg8: memref<2048xf32, #tpu.memory_space<vmem>>, %arg9: memref<2048xi32, #tpu.memory_space<vmem>>, %arg10: memref<2048xf32, #tpu.memory_space<vmem>>, %arg11: memref<2x25xf32, #tpu.memory_space<vmem>>, %arg12: memref<25xf32, #tpu.memory_space<vmem>>, %arg13: memref<16xf32, #tpu.memory_space<vmem>>, %arg14: memref<16xf32, #tpu.memory_space<vmem>>, %arg15: memref<16xf32, #tpu.memory_space<vmem>>, %arg16: memref<16xf32, #tpu.memory_space<vmem>>, %arg17: memref<16xf32, #tpu.memory_space<vmem>>, %arg18: memref<16xf32, #tpu.memory_space<vmem>>, %arg19: memref<!tpu.dma_semaphore, #tpu.memory_space<semaphore_mem>>, %arg20: memref<!tpu.dma_semaphore, #tpu.memory_space<semaphore_mem>>, %arg21: memref<!tpu.dma_semaphore, #tpu.memory_space<semaphore_mem>>) attributes {dimension_semantics = [#tpu.dimension_semantics<core_parallel>, #tpu.dimension_semantics<subcore_parallel>], iteration_bounds = array<i64: 2, 16>, scalar_prefetch = 0 : i64, scratch_operands = 15 : i64, tpu.core_type = #tpu.core_type<sc_vector_subcore>, window_params = [{transform_indices = #map}, {transform_indices = #map1}, {transform_indices = #map}, {transform_indices = #map1}, {transform_indices = #map1}]} {
    %mul3A = arith.constant 2 : i32
    %mul3A_0 = arith.muli %arg1, %mul3A : i32
    %add3A = arith.addi %mul3A_0, %arg0 : i32
    %mul3A_1 = arith.constant 2048 : i32
    %mul3A_2 = arith.muli %add3A, %mul3A_1 : i32
    %dma_start3A = arith.constant 0 : i32
    %dma_start3A_3 = tpu.memref_slice %arg2[%dma_start3A, %mul3A_2] : memref<2x65536xf32, #tpu.memory_space<hbm>> -> memref<1x2048xf32, #tpu.memory_space<hbm>>
    %dma_start3A_4 = tpu.memref_squeeze %dma_start3A_3 : memref<1x2048xf32, #tpu.memory_space<hbm>> -> memref<2048xf32, #tpu.memory_space<hbm>>
    %dma_start3A_5 = tpu.memref_slice %arg2[%dma_start3A, %mul3A_2] : memref<2x65536xf32, #tpu.memory_space<hbm>> -> memref<1x2048xf32, #tpu.memory_space<hbm>>
    %dma_start3A_6 = tpu.memref_squeeze %dma_start3A_5 : memref<1x2048xf32, #tpu.memory_space<hbm>> -> memref<2048xf32, #tpu.memory_space<hbm>>
    tpu.enqueue_dma source(%dma_start3A_6 : memref<2048xf32, #tpu.memory_space<hbm>>) target(%arg7 : memref<2048xf32, #tpu.memory_space<vmem>>) target_semaphore(%arg19 : memref<!tpu.dma_semaphore, #tpu.memory_space<semaphore_mem>>)
    %dma_start3A_7 = arith.constant 1 : i32
    %dma_start3A_8 = tpu.memref_slice %arg2[%dma_start3A_7, %mul3A_2] : memref<2x65536xf32, #tpu.memory_space<hbm>> -> memref<1x2048xf32, #tpu.memory_space<hbm>>
    %dma_start3A_9 = tpu.memref_squeeze %dma_start3A_8 : memref<1x2048xf32, #tpu.memory_space<hbm>> -> memref<2048xf32, #tpu.memory_space<hbm>>
    %dma_start3A_10 = tpu.memref_slice %arg2[%dma_start3A_7, %mul3A_2] : memref<2x65536xf32, #tpu.memory_space<hbm>> -> memref<1x2048xf32, #tpu.memory_space<hbm>>
    %dma_start3A_11 = tpu.memref_squeeze %dma_start3A_10 : memref<1x2048xf32, #tpu.memory_space<hbm>> -> memref<2048xf32, #tpu.memory_space<hbm>>
    tpu.enqueue_dma source(%dma_start3A_11 : memref<2048xf32, #tpu.memory_space<hbm>>) target(%arg8 : memref<2048xf32, #tpu.memory_space<vmem>>) target_semaphore(%arg19 : memref<!tpu.dma_semaphore, #tpu.memory_space<semaphore_mem>>)
    %dma_start3A_12 = tpu.memref_slice %arg3[%mul3A_2] : memref<65536xi32, #tpu.memory_space<hbm>> -> memref<2048xi32, #tpu.memory_space<hbm>>
    %dma_start3A_13 = tpu.memref_slice %arg3[%mul3A_2] : memref<65536xi32, #tpu.memory_space<hbm>> -> memref<2048xi32, #tpu.memory_space<hbm>>
    tpu.enqueue_dma source(%dma_start3A_13 : memref<2048xi32, #tpu.memory_space<hbm>>) target(%arg9 : memref<2048xi32, #tpu.memory_space<vmem>>) target_semaphore(%arg20 : memref<!tpu.dma_semaphore, #tpu.memory_space<semaphore_mem>>)
    tpu.enqueue_dma source(%arg4 : memref<2x25xf32, #tpu.memory_space<hbm>>) target(%arg11 : memref<2x25xf32, #tpu.memory_space<vmem>>) target_semaphore(%arg21 : memref<!tpu.dma_semaphore, #tpu.memory_space<semaphore_mem>>)
    tpu.enqueue_dma source(%arg5 : memref<25xf32, #tpu.memory_space<hbm>>) target(%arg12 : memref<25xf32, #tpu.memory_space<vmem>>) target_semaphore(%arg21 : memref<!tpu.dma_semaphore, #tpu.memory_space<semaphore_mem>>)
    tpu.wait_dma2 semaphore(%arg21 : memref<!tpu.dma_semaphore, #tpu.memory_space<semaphore_mem>>) src(%arg4 : memref<2x25xf32, #tpu.memory_space<hbm>>) dst(%arg11 : memref<2x25xf32, #tpu.memory_space<vmem>>)
    tpu.wait_dma2 semaphore(%arg21 : memref<!tpu.dma_semaphore, #tpu.memory_space<semaphore_mem>>) src(%arg5 : memref<25xf32, #tpu.memory_space<hbm>>) dst(%arg12 : memref<25xf32, #tpu.memory_space<vmem>>)
    %iota3A = tpu.iota {dimensions = array<i32: 0>} : vector<16xi32>
    %shift_right_arithmetic3A = arith.constant 2 : i32
    %shift_right_arithmetic3A_14 = vector.broadcast %shift_right_arithmetic3A : i32 to vector<16xi32>
    %shift_right_arithmetic3A_15 = arith.shrsi %iota3A, %shift_right_arithmetic3A_14 : vector<16xi32>
    %mul3A_16 = arith.constant 5 : i32
    %mul3A_17 = vector.broadcast %mul3A_16 : i32 to vector<16xi32>
    %mul3A_18 = arith.muli %mul3A_17, %shift_right_arithmetic3A_15 : vector<16xi32>
    %and3A = arith.constant 3 : i32
    %and3A_19 = vector.broadcast %and3A : i32 to vector<16xi32>
    %and3A_20 = arith.andi %iota3A, %and3A_19 : vector<16xi32>
    %add3A_21 = arith.addi %mul3A_18, %and3A_20 : vector<16xi32>
    %add3A_22 = arith.constant 1 : i32
    %add3A_23 = vector.broadcast %add3A_22 : i32 to vector<16xi32>
    %add3A_24 = arith.addi %add3A_21, %add3A_23 : vector<16xi32>
    %add3A_25 = arith.constant 6 : i32
    %add3A_26 = vector.broadcast %add3A_25 : i32 to vector<16xi32>
    %add3A_27 = arith.addi %add3A_21, %add3A_26 : vector<16xi32>
    %add3A_28 = arith.constant 5 : i32
    %add3A_29 = vector.broadcast %add3A_28 : i32 to vector<16xi32>
    %add3A_30 = arith.addi %add3A_21, %add3A_29 : vector<16xi32>
    %broadcast_in_dim3A = arith.constant 0 : i32
    %broadcast_in_dim3A_31 = vector.broadcast %broadcast_in_dim3A : i32 to vector<16xi32>
    %broadcast_in_dim3A_32 = arith.constant 1 : i32
    %broadcast_in_dim3A_33 = vector.broadcast %broadcast_in_dim3A_32 : i32 to vector<16xi32>
    %gather3A = tpu.vector_load_idx %arg11[%broadcast_in_dim3A_31, %add3A_21] : memref<2x25xf32, #tpu.memory_space<vmem>>[vector<16xi32>, vector<16xi32>], vector<16xf32>,
    %gather3A_34 = tpu.vector_load_idx %arg11[%broadcast_in_dim3A_31, %add3A_24] : memref<2x25xf32, #tpu.memory_space<vmem>>[vector<16xi32>, vector<16xi32>], vector<16xf32>,
    %gather3A_35 = tpu.vector_load_idx %arg11[%broadcast_in_dim3A_31, %add3A_27] : memref<2x25xf32, #tpu.memory_space<vmem>>[vector<16xi32>, vector<16xi32>], vector<16xf32>,
    %gather3A_36 = tpu.vector_load_idx %arg11[%broadcast_in_dim3A_31, %add3A_30] : memref<2x25xf32, #tpu.memory_space<vmem>>[vector<16xi32>, vector<16xi32>], vector<16xf32>,
    %gather3A_37 = tpu.vector_load_idx %arg11[%broadcast_in_dim3A_33, %add3A_21] : memref<2x25xf32, #tpu.memory_space<vmem>>[vector<16xi32>, vector<16xi32>], vector<16xf32>,
    %gather3A_38 = tpu.vector_load_idx %arg11[%broadcast_in_dim3A_33, %add3A_24] : memref<2x25xf32, #tpu.memory_space<vmem>>[vector<16xi32>, vector<16xi32>], vector<16xf32>,
    %gather3A_39 = tpu.vector_load_idx %arg11[%broadcast_in_dim3A_33, %add3A_27] : memref<2x25xf32, #tpu.memory_space<vmem>>[vector<16xi32>, vector<16xi32>], vector<16xf32>,
    %gather3A_40 = tpu.vector_load_idx %arg11[%broadcast_in_dim3A_33, %add3A_30] : memref<2x25xf32, #tpu.memory_space<vmem>>[vector<16xi32>, vector<16xi32>], vector<16xf32>,
    %gather3A_41 = tpu.vector_load_idx %arg12[%add3A_21] : memref<25xf32, #tpu.memory_space<vmem>>[vector<16xi32>], vector<16xf32>,
    %gather3A_42 = tpu.vector_load_idx %arg12[%add3A_24] : memref<25xf32, #tpu.memory_space<vmem>>[vector<16xi32>], vector<16xf32>,
    %gather3A_43 = tpu.vector_load_idx %arg12[%add3A_27] : memref<25xf32, #tpu.memory_space<vmem>>[vector<16xi32>], vector<16xf32>,
    %gather3A_44 = tpu.vector_load_idx %arg12[%add3A_30] : memref<25xf32, #tpu.memory_space<vmem>>[vector<16xi32>], vector<16xf32>,
    %broadcast_in_dim3A_45 = arith.constant 0.000000e+00 : f32
    %broadcast_in_dim3A_46 = vector.broadcast %broadcast_in_dim3A_45 : f32 to vector<16xf32>
    %broadcast_in_dim3A_47 = arith.constant 0.000000e+00 : f32
    %broadcast_in_dim3A_48 = vector.broadcast %broadcast_in_dim3A_47 : f32 to vector<16xf32>
    %broadcast_in_dim3A_49 = arith.constant 0.000000e+00 : f32
    %broadcast_in_dim3A_50 = vector.broadcast %broadcast_in_dim3A_49 : f32 to vector<16xf32>
    %broadcast_in_dim3A_51 = arith.constant 0.000000e+00 : f32
    %broadcast_in_dim3A_52 = vector.broadcast %broadcast_in_dim3A_51 : f32 to vector<16xf32>
    %broadcast_in_dim3A_53 = arith.constant 0.000000e+00 : f32
    %broadcast_in_dim3A_54 = vector.broadcast %broadcast_in_dim3A_53 : f32 to vector<16xf32>
    %broadcast_in_dim3A_55 = arith.constant 0.000000e+00 : f32
    %broadcast_in_dim3A_56 = vector.broadcast %broadcast_in_dim3A_55 : f32 to vector<16xf32>
    %sub3A = arith.subf %gather3A_38, %gather3A_39 : vector<16xf32>
    %sub3A_57 = arith.subf %gather3A_35, %gather3A_34 : vector<16xf32>
    %neg3A = arith.constant 0.000000e+00 : f32
    %neg3A_58 = vector.broadcast %neg3A : f32 to vector<16xf32>
    %neg3A_59 = arith.subf %neg3A_58, %sub3A_57 : vector<16xf32>
    %mul3A_60 = arith.mulf %neg3A_59, %gather3A_38 : vector<16xf32>
    %mul3A_61 = arith.mulf %sub3A, %gather3A_34 : vector<16xf32>
    %sub3A_62 = arith.subf %mul3A_60, %mul3A_61 : vector<16xf32>
    %sub3A_63 = arith.subf %gather3A_37, %gather3A_38 : vector<16xf32>
    %mul3A_64 = arith.mulf %sub3A_57, %sub3A_63 : vector<16xf32>
    %sub3A_65 = arith.subf %gather3A, %gather3A_34 : vector<16xf32>
    %mul3A_66 = arith.mulf %sub3A, %sub3A_65 : vector<16xf32>
    %add3A_67 = arith.addf %mul3A_64, %mul3A_66 : vector<16xf32>
    %sub3A_68 = arith.subf %gather3A_40, %gather3A_39 : vector<16xf32>
    %sub3A_69 = arith.subf %gather3A_35, %gather3A_36 : vector<16xf32>
    %neg3A_70 = arith.constant 0.000000e+00 : f32
    %neg3A_71 = vector.broadcast %neg3A_70 : f32 to vector<16xf32>
    %neg3A_72 = arith.subf %neg3A_71, %sub3A_69 : vector<16xf32>
    %mul3A_73 = arith.mulf %neg3A_72, %gather3A_40 : vector<16xf32>
    %mul3A_74 = arith.mulf %sub3A_68, %gather3A_36 : vector<16xf32>
    %sub3A_75 = arith.subf %mul3A_73, %mul3A_74 : vector<16xf32>
    %sub3A_76 = arith.subf %gather3A_37, %gather3A_40 : vector<16xf32>
    %mul3A_77 = arith.mulf %sub3A_69, %sub3A_76 : vector<16xf32>
    %sub3A_78 = arith.subf %gather3A, %gather3A_36 : vector<16xf32>
    %mul3A_79 = arith.mulf %sub3A_68, %sub3A_78 : vector<16xf32>
    %add3A_80 = arith.addf %mul3A_77, %mul3A_79 : vector<16xf32>
    %mul3A_81 = arith.mulf %add3A_67, %add3A_80 : vector<16xf32>
    %div3A = arith.divf %gather3A_41, %mul3A_81 : vector<16xf32>
    %mul3A_82 = arith.mulf %div3A, %sub3A_62 : vector<16xf32>
    %mul3A_83 = arith.mulf %mul3A_82, %sub3A_75 : vector<16xf32>
    %add3A_84 = arith.addf %broadcast_in_dim3A_46, %mul3A_83 : vector<16xf32>
    %mul3A_85 = arith.mulf %sub3A_62, %sub3A_68 : vector<16xf32>
    %mul3A_86 = arith.mulf %sub3A, %sub3A_75 : vector<16xf32>
    %add3A_87 = arith.addf %mul3A_85, %mul3A_86 : vector<16xf32>
    %mul3A_88 = arith.mulf %div3A, %add3A_87 : vector<16xf32>
    %add3A_89 = arith.addf %broadcast_in_dim3A_48, %mul3A_88 : vector<16xf32>
    %mul3A_90 = arith.mulf %sub3A_62, %sub3A_69 : vector<16xf32>
    %mul3A_91 = arith.mulf %sub3A_57, %sub3A_75 : vector<16xf32>
    %add3A_92 = arith.addf %mul3A_90, %mul3A_91 : vector<16xf32>
    %mul3A_93 = arith.mulf %div3A, %add3A_92 : vector<16xf32>
    %add3A_94 = arith.addf %broadcast_in_dim3A_50, %mul3A_93 : vector<16xf32>
    %mul3A_95 = arith.mulf %div3A, %sub3A : vector<16xf32>
    %mul3A_96 = arith.mulf %mul3A_95, %sub3A_68 : vector<16xf32>
    %add3A_97 = arith.addf %broadcast_in_dim3A_52, %mul3A_96 : vector<16xf32>
    %mul3A_98 = arith.mulf %sub3A, %sub3A_69 : vector<16xf32>
    %mul3A_99 = arith.mulf %sub3A_57, %sub3A_68 : vector<16xf32>
    %add3A_100 = arith.addf %mul3A_98, %mul3A_99 : vector<16xf32>
    %mul3A_101 = arith.mulf %div3A, %add3A_100 : vector<16xf32>
    %add3A_102 = arith.addf %broadcast_in_dim3A_54, %mul3A_101 : vector<16xf32>
    %mul3A_103 = arith.mulf %div3A, %sub3A_57 : vector<16xf32>
    %mul3A_104 = arith.mulf %mul3A_103, %sub3A_69 : vector<16xf32>
    %add3A_105 = arith.addf %broadcast_in_dim3A_56, %mul3A_104 : vector<16xf32>
    %sub3A_106 = arith.subf %gather3A_39, %gather3A_40 : vector<16xf32>
    %sub3A_107 = arith.subf %gather3A_36, %gather3A_35 : vector<16xf32>
    %neg3A_108 = arith.constant 0.000000e+00 : f32
    %neg3A_109 = vector.broadcast %neg3A_108 : f32 to vector<16xf32>
    %neg3A_110 = arith.subf %neg3A_109, %sub3A_107 : vector<16xf32>
    %mul3A_111 = arith.mulf %neg3A_110, %gather3A_39 : vector<16xf32>
    %mul3A_112 = arith.mulf %sub3A_106, %gather3A_35 : vector<16xf32>
    %sub3A_113 = arith.subf %mul3A_111, %mul3A_112 : vector<16xf32>
    %sub3A_114 = arith.subf %gather3A_38, %gather3A_39 : vector<16xf32>
    %mul3A_115 = arith.mulf %sub3A_107, %sub3A_114 : vector<16xf32>
    %sub3A_116 = arith.subf %gather3A_34, %gather3A_35 : vector<16xf32>
    %mul3A_117 = arith.mulf %sub3A_106, %sub3A_116 : vector<16xf32>
    %add3A_118 = arith.addf %mul3A_115, %mul3A_117 : vector<16xf32>
    %sub3A_119 = arith.subf %gather3A_37, %gather3A_40 : vector<16xf32>
    %sub3A_120 = arith.subf %gather3A_36, %gather3A : vector<16xf32>
    %neg3A_121 = arith.constant 0.000000e+00 : f32
    %neg3A_122 = vector.broadcast %neg3A_121 : f32 to vector<16xf32>
    %neg3A_123 = arith.subf %neg3A_122, %sub3A_120 : vector<16xf32>
    %mul3A_124 = arith.mulf %neg3A_123, %gather3A_37 : vector<16xf32>
    %mul3A_125 = arith.mulf %sub3A_119, %gather3A : vector<16xf32>
    %sub3A_126 = arith.subf %mul3A_124, %mul3A_125 : vector<16xf32>
    %sub3A_127 = arith.subf %gather3A_38, %gather3A_37 : vector<16xf32>
    %mul3A_128 = arith.mulf %sub3A_120, %sub3A_127 : vector<16xf32>
    %sub3A_129 = arith.subf %gather3A_34, %gather3A : vector<16xf32>
    %mul3A_130 = arith.mulf %sub3A_119, %sub3A_129 : vector<16xf32>
    %add3A_131 = arith.addf %mul3A_128, %mul3A_130 : vector<16xf32>
    %mul3A_132 = arith.mulf %add3A_118, %add3A_131 : vector<16xf32>
    %div3A_133 = arith.divf %gather3A_42, %mul3A_132 : vector<16xf32>
    %mul3A_134 = arith.mulf %div3A_133, %sub3A_113 : vector<16xf32>
    %mul3A_135 = arith.mulf %mul3A_134, %sub3A_126 : vector<16xf32>
    %add3A_136 = arith.addf %add3A_84, %mul3A_135 : vector<16xf32>
    %mul3A_137 = arith.mulf %sub3A_113, %sub3A_119 : vector<16xf32>
    %mul3A_138 = arith.mulf %sub3A_106, %sub3A_126 : vector<16xf32>
    %add3A_139 = arith.addf %mul3A_137, %mul3A_138 : vector<16xf32>
    %mul3A_140 = arith.mulf %div3A_133, %add3A_139 : vector<16xf32>
    %add3A_141 = arith.addf %add3A_89, %mul3A_140 : vector<16xf32>
    %mul3A_142 = arith.mulf %sub3A_113, %sub3A_120 : vector<16xf32>
    %mul3A_143 = arith.mulf %sub3A_107, %sub3A_126 : vector<16xf32>
    %add3A_144 = arith.addf %mul3A_142, %mul3A_143 : vector<16xf32>
    %mul3A_145 = arith.mulf %div3A_133, %add3A_144 : vector<16xf32>
    %add3A_146 = arith.addf %add3A_94, %mul3A_145 : vector<16xf32>
    %mul3A_147 = arith.mulf %div3A_133, %sub3A_106 : vector<16xf32>
    %mul3A_148 = arith.mulf %mul3A_147, %sub3A_119 : vector<16xf32>
    %add3A_149 = arith.addf %add3A_97, %mul3A_148 : vector<16xf32>
    %mul3A_150 = arith.mulf %sub3A_106, %sub3A_120 : vector<16xf32>
    %mul3A_151 = arith.mulf %sub3A_107, %sub3A_119 : vector<16xf32>
    %add3A_152 = arith.addf %mul3A_150, %mul3A_151 : vector<16xf32>
    %mul3A_153 = arith.mulf %div3A_133, %add3A_152 : vector<16xf32>
    %add3A_154 = arith.addf %add3A_102, %mul3A_153 : vector<16xf32>
    %mul3A_155 = arith.mulf %div3A_133, %sub3A_107 : vector<16xf32>
    %mul3A_156 = arith.mulf %mul3A_155, %sub3A_120 : vector<16xf32>
    %add3A_157 = arith.addf %add3A_105, %mul3A_156 : vector<16xf32>
    %sub3A_158 = arith.subf %gather3A_40, %gather3A_37 : vector<16xf32>
    %sub3A_159 = arith.subf %gather3A, %gather3A_36 : vector<16xf32>
    %neg3A_160 = arith.constant 0.000000e+00 : f32
    %neg3A_161 = vector.broadcast %neg3A_160 : f32 to vector<16xf32>
    %neg3A_162 = arith.subf %neg3A_161, %sub3A_159 : vector<16xf32>
    %mul3A_163 = arith.mulf %neg3A_162, %gather3A_40 : vector<16xf32>
    %mul3A_164 = arith.mulf %sub3A_158, %gather3A_36 : vector<16xf32>
    %sub3A_165 = arith.subf %mul3A_163, %mul3A_164 : vector<16xf32>
    %sub3A_166 = arith.subf %gather3A_39, %gather3A_40 : vector<16xf32>
    %mul3A_167 = arith.mulf %sub3A_159, %sub3A_166 : vector<16xf32>
    %sub3A_168 = arith.subf %gather3A_35, %gather3A_36 : vector<16xf32>
    %mul3A_169 = arith.mulf %sub3A_158, %sub3A_168 : vector<16xf32>
    %add3A_170 = arith.addf %mul3A_167, %mul3A_169 : vector<16xf32>
    %sub3A_171 = arith.subf %gather3A_38, %gather3A_37 : vector<16xf32>
    %sub3A_172 = arith.subf %gather3A, %gather3A_34 : vector<16xf32>
    %neg3A_173 = arith.constant 0.000000e+00 : f32
    %neg3A_174 = vector.broadcast %neg3A_173 : f32 to vector<16xf32>
    %neg3A_175 = arith.subf %neg3A_174, %sub3A_172 : vector<16xf32>
    %mul3A_176 = arith.mulf %neg3A_175, %gather3A_38 : vector<16xf32>
    %mul3A_177 = arith.mulf %sub3A_171, %gather3A_34 : vector<16xf32>
    %sub3A_178 = arith.subf %mul3A_176, %mul3A_177 : vector<16xf32>
    %sub3A_179 = arith.subf %gather3A_39, %gather3A_38 : vector<16xf32>
    %mul3A_180 = arith.mulf %sub3A_172, %sub3A_179 : vector<16xf32>
    %sub3A_181 = arith.subf %gather3A_35, %gather3A_34 : vector<16xf32>
    %mul3A_182 = arith.mulf %sub3A_171, %sub3A_181 : vector<16xf32>
    %add3A_183 = arith.addf %mul3A_180, %mul3A_182 : vector<16xf32>
    %mul3A_184 = arith.mulf %add3A_170, %add3A_183 : vector<16xf32>
    %div3A_185 = arith.divf %gather3A_43, %mul3A_184 : vector<16xf32>
    %mul3A_186 = arith.mulf %div3A_185, %sub3A_165 : vector<16xf32>
    %mul3A_187 = arith.mulf %mul3A_186, %sub3A_178 : vector<16xf32>
    %add3A_188 = arith.addf %add3A_136, %mul3A_187 : vector<16xf32>
    %mul3A_189 = arith.mulf %sub3A_165, %sub3A_171 : vector<16xf32>
    %mul3A_190 = arith.mulf %sub3A_158, %sub3A_178 : vector<16xf32>
    %add3A_191 = arith.addf %mul3A_189, %mul3A_190 : vector<16xf32>
    %mul3A_192 = arith.mulf %div3A_185, %add3A_191 : vector<16xf32>
    %add3A_193 = arith.addf %add3A_141, %mul3A_192 : vector<16xf32>
    %mul3A_194 = arith.mulf %sub3A_165, %sub3A_172 : vector<16xf32>
    %mul3A_195 = arith.mulf %sub3A_159, %sub3A_178 : vector<16xf32>
    %add3A_196 = arith.addf %mul3A_194, %mul3A_195 : vector<16xf32>
    %mul3A_197 = arith.mulf %div3A_185, %add3A_196 : vector<16xf32>
    %add3A_198 = arith.addf %add3A_146, %mul3A_197 : vector<16xf32>
    %mul3A_199 = arith.mulf %div3A_185, %sub3A_158 : vector<16xf32>
    %mul3A_200 = arith.mulf %mul3A_199, %sub3A_171 : vector<16xf32>
    %add3A_201 = arith.addf %add3A_149, %mul3A_200 : vector<16xf32>
    %mul3A_202 = arith.mulf %sub3A_158, %sub3A_172 : vector<16xf32>
    %mul3A_203 = arith.mulf %sub3A_159, %sub3A_171 : vector<16xf32>
    %add3A_204 = arith.addf %mul3A_202, %mul3A_203 : vector<16xf32>
    %mul3A_205 = arith.mulf %div3A_185, %add3A_204 : vector<16xf32>
    %add3A_206 = arith.addf %add3A_154, %mul3A_205 : vector<16xf32>
    %mul3A_207 = arith.mulf %div3A_185, %sub3A_159 : vector<16xf32>
    %mul3A_208 = arith.mulf %mul3A_207, %sub3A_172 : vector<16xf32>
    %add3A_209 = arith.addf %add3A_157, %mul3A_208 : vector<16xf32>
    %sub3A_210 = arith.subf %gather3A_37, %gather3A_38 : vector<16xf32>
    %sub3A_211 = arith.subf %gather3A_34, %gather3A : vector<16xf32>
    %neg3A_212 = arith.constant 0.000000e+00 : f32
    %neg3A_213 = vector.broadcast %neg3A_212 : f32 to vector<16xf32>
    %neg3A_214 = arith.subf %neg3A_213, %sub3A_211 : vector<16xf32>
    %mul3A_215 = arith.mulf %neg3A_214, %gather3A_37 : vector<16xf32>
    %mul3A_216 = arith.mulf %sub3A_210, %gather3A : vector<16xf32>
    %sub3A_217 = arith.subf %mul3A_215, %mul3A_216 : vector<16xf32>
    %sub3A_218 = arith.subf %gather3A_40, %gather3A_37 : vector<16xf32>
    %mul3A_219 = arith.mulf %sub3A_211, %sub3A_218 : vector<16xf32>
    %sub3A_220 = arith.subf %gather3A_36, %gather3A : vector<16xf32>
    %mul3A_221 = arith.mulf %sub3A_210, %sub3A_220 : vector<16xf32>
    %add3A_222 = arith.addf %mul3A_219, %mul3A_221 : vector<16xf32>
    %sub3A_223 = arith.subf %gather3A_39, %gather3A_38 : vector<16xf32>
    %sub3A_224 = arith.subf %gather3A_34, %gather3A_35 : vector<16xf32>
    %neg3A_225 = arith.constant 0.000000e+00 : f32
    %neg3A_226 = vector.broadcast %neg3A_225 : f32 to vector<16xf32>
    %neg3A_227 = arith.subf %neg3A_226, %sub3A_224 : vector<16xf32>
    %mul3A_228 = arith.mulf %neg3A_227, %gather3A_39 : vector<16xf32>
    %mul3A_229 = arith.mulf %sub3A_223, %gather3A_35 : vector<16xf32>
    %sub3A_230 = arith.subf %mul3A_228, %mul3A_229 : vector<16xf32>
    %sub3A_231 = arith.subf %gather3A_40, %gather3A_39 : vector<16xf32>
    %mul3A_232 = arith.mulf %sub3A_224, %sub3A_231 : vector<16xf32>
    %sub3A_233 = arith.subf %gather3A_36, %gather3A_35 : vector<16xf32>
    %mul3A_234 = arith.mulf %sub3A_223, %sub3A_233 : vector<16xf32>
    %add3A_235 = arith.addf %mul3A_232, %mul3A_234 : vector<16xf32>
    %mul3A_236 = arith.mulf %add3A_222, %add3A_235 : vector<16xf32>
    %div3A_237 = arith.divf %gather3A_44, %mul3A_236 : vector<16xf32>
    %mul3A_238 = arith.mulf %div3A_237, %sub3A_217 : vector<16xf32>
    %mul3A_239 = arith.mulf %mul3A_238, %sub3A_230 : vector<16xf32>
    %add3A_240 = arith.addf %add3A_188, %mul3A_239 : vector<16xf32>
    %mul3A_241 = arith.mulf %sub3A_217, %sub3A_223 : vector<16xf32>
    %mul3A_242 = arith.mulf %sub3A_210, %sub3A_230 : vector<16xf32>
    %add3A_243 = arith.addf %mul3A_241, %mul3A_242 : vector<16xf32>
    %mul3A_244 = arith.mulf %div3A_237, %add3A_243 : vector<16xf32>
    %add3A_245 = arith.addf %add3A_193, %mul3A_244 : vector<16xf32>
    %mul3A_246 = arith.mulf %sub3A_217, %sub3A_224 : vector<16xf32>
    %mul3A_247 = arith.mulf %sub3A_211, %sub3A_230 : vector<16xf32>
    %add3A_248 = arith.addf %mul3A_246, %mul3A_247 : vector<16xf32>
    %mul3A_249 = arith.mulf %div3A_237, %add3A_248 : vector<16xf32>
    %add3A_250 = arith.addf %add3A_198, %mul3A_249 : vector<16xf32>
    %mul3A_251 = arith.mulf %div3A_237, %sub3A_210 : vector<16xf32>
    %mul3A_252 = arith.mulf %mul3A_251, %sub3A_223 : vector<16xf32>
    %add3A_253 = arith.addf %add3A_201, %mul3A_252 : vector<16xf32>
    %mul3A_254 = arith.mulf %sub3A_210, %sub3A_224 : vector<16xf32>
    %mul3A_255 = arith.mulf %sub3A_211, %sub3A_223 : vector<16xf32>
    %add3A_256 = arith.addf %mul3A_254, %mul3A_255 : vector<16xf32>
    %mul3A_257 = arith.mulf %div3A_237, %add3A_256 : vector<16xf32>
    %add3A_258 = arith.addf %add3A_206, %mul3A_257 : vector<16xf32>
    %mul3A_259 = arith.mulf %div3A_237, %sub3A_211 : vector<16xf32>
    %mul3A_260 = arith.mulf %mul3A_259, %sub3A_224 : vector<16xf32>
    %add3A_261 = arith.addf %add3A_209, %mul3A_260 : vector<16xf32>
    %swap3A = arith.constant 0 : index
    %swap3A_262 = tpu.vector_load %arg13[%swap3A] {strides = array<i32>} : memref<16xf32, #tpu.memory_space<vmem>>, vector<16xf32>,
    tpu.vector_store %arg13[%swap3A], %add3A_240 {strides = array<i32>} : memref<16xf32, #tpu.memory_space<vmem>>, vector<16xf32>,
    %swap3A_263 = arith.constant 0 : index
    %swap3A_264 = tpu.vector_load %arg14[%swap3A_263] {strides = array<i32>} : memref<16xf32, #tpu.memory_space<vmem>>, vector<16xf32>,
    tpu.vector_store %arg14[%swap3A_263], %add3A_245 {strides = array<i32>} : memref<16xf32, #tpu.memory_space<vmem>>, vector<16xf32>,
    %swap3A_265 = arith.constant 0 : index
    %swap3A_266 = tpu.vector_load %arg15[%swap3A_265] {strides = array<i32>} : memref<16xf32, #tpu.memory_space<vmem>>, vector<16xf32>,
    tpu.vector_store %arg15[%swap3A_265], %add3A_250 {strides = array<i32>} : memref<16xf32, #tpu.memory_space<vmem>>, vector<16xf32>,
    %swap3A_267 = arith.constant 0 : index
    %swap3A_268 = tpu.vector_load %arg16[%swap3A_267] {strides = array<i32>} : memref<16xf32, #tpu.memory_space<vmem>>, vector<16xf32>,
    tpu.vector_store %arg16[%swap3A_267], %add3A_253 {strides = array<i32>} : memref<16xf32, #tpu.memory_space<vmem>>, vector<16xf32>,
    %swap3A_269 = arith.constant 0 : index
    %swap3A_270 = tpu.vector_load %arg17[%swap3A_269] {strides = array<i32>} : memref<16xf32, #tpu.memory_space<vmem>>, vector<16xf32>,
    tpu.vector_store %arg17[%swap3A_269], %add3A_258 {strides = array<i32>} : memref<16xf32, #tpu.memory_space<vmem>>, vector<16xf32>,
    %swap3A_271 = arith.constant 0 : index
    %swap3A_272 = tpu.vector_load %arg18[%swap3A_271] {strides = array<i32>} : memref<16xf32, #tpu.memory_space<vmem>>, vector<16xf32>,
    tpu.vector_store %arg18[%swap3A_271], %add3A_261 {strides = array<i32>} : memref<16xf32, #tpu.memory_space<vmem>>, vector<16xf32>,
    %dma_wait3A = arith.constant 0 : i32
    %dma_wait3A_273 = tpu.memref_slice %arg2[%dma_wait3A, %mul3A_2] : memref<2x65536xf32, #tpu.memory_space<hbm>> -> memref<1x2048xf32, #tpu.memory_space<hbm>>
    %dma_wait3A_274 = tpu.memref_squeeze %dma_wait3A_273 : memref<1x2048xf32, #tpu.memory_space<hbm>> -> memref<2048xf32, #tpu.memory_space<hbm>>
    %dma_wait3A_275 = tpu.memref_slice %arg2[%dma_wait3A, %mul3A_2] : memref<2x65536xf32, #tpu.memory_space<hbm>> -> memref<1x2048xf32, #tpu.memory_space<hbm>>
    %dma_wait3A_276 = tpu.memref_squeeze %dma_wait3A_275 : memref<1x2048xf32, #tpu.memory_space<hbm>> -> memref<2048xf32, #tpu.memory_space<hbm>>
    tpu.wait_dma2 semaphore(%arg19 : memref<!tpu.dma_semaphore, #tpu.memory_space<semaphore_mem>>) src(%dma_wait3A_276 : memref<2048xf32, #tpu.memory_space<hbm>>) dst(%arg7 : memref<2048xf32, #tpu.memory_space<vmem>>)
    %dma_wait3A_277 = arith.constant 1 : i32
    %dma_wait3A_278 = tpu.memref_slice %arg2[%dma_wait3A_277, %mul3A_2] : memref<2x65536xf32, #tpu.memory_space<hbm>> -> memref<1x2048xf32, #tpu.memory_space<hbm>>
    %dma_wait3A_279 = tpu.memref_squeeze %dma_wait3A_278 : memref<1x2048xf32, #tpu.memory_space<hbm>> -> memref<2048xf32, #tpu.memory_space<hbm>>
    %dma_wait3A_280 = tpu.memref_slice %arg2[%dma_wait3A_277, %mul3A_2] : memref<2x65536xf32, #tpu.memory_space<hbm>> -> memref<1x2048xf32, #tpu.memory_space<hbm>>
    %dma_wait3A_281 = tpu.memref_squeeze %dma_wait3A_280 : memref<1x2048xf32, #tpu.memory_space<hbm>> -> memref<2048xf32, #tpu.memory_space<hbm>>
    tpu.wait_dma2 semaphore(%arg19 : memref<!tpu.dma_semaphore, #tpu.memory_space<semaphore_mem>>) src(%dma_wait3A_281 : memref<2048xf32, #tpu.memory_space<hbm>>) dst(%arg8 : memref<2048xf32, #tpu.memory_space<vmem>>)
    %dma_wait3A_282 = tpu.memref_slice %arg3[%mul3A_2] : memref<65536xi32, #tpu.memory_space<hbm>> -> memref<2048xi32, #tpu.memory_space<hbm>>
    %dma_wait3A_283 = tpu.memref_slice %arg3[%mul3A_2] : memref<65536xi32, #tpu.memory_space<hbm>> -> memref<2048xi32, #tpu.memory_space<hbm>>
    tpu.wait_dma2 semaphore(%arg20 : memref<!tpu.dma_semaphore, #tpu.memory_space<semaphore_mem>>) src(%dma_wait3A_283 : memref<2048xi32, #tpu.memory_space<hbm>>) dst(%arg9 : memref<2048xi32, #tpu.memory_space<vmem>>)
    %parallel_loop3A = arith.constant 0 : i32
    %parallel_loop3A_284 = arith.constant 128 : i32
    %parallel_loop3A_285 = arith.constant 1 : i32
    scf.for %parallel_loop3A_286 = %parallel_loop3A to %parallel_loop3A_284 step %parallel_loop3A_285  : i32 {
      %parallel_loop3A_287 = arith.constant 16 : i32
      %parallel_loop3A_288 = arith.muli %parallel_loop3A_286, %parallel_loop3A_287 : i32
      %parallel_loop3A_289 = arith.index_cast %parallel_loop3A_288 : i32 to index
      %parallel_loop3A_290 = tpu.vector_load %arg7[%parallel_loop3A_289] {strides = array<i32>} : memref<2048xf32, #tpu.memory_space<vmem>>, vector<16xf32>,
      %parallel_loop3A_291 = arith.index_cast %parallel_loop3A_288 : i32 to index
      %parallel_loop3A_292 = tpu.vector_load %arg8[%parallel_loop3A_291] {strides = array<i32>} : memref<2048xf32, #tpu.memory_space<vmem>>, vector<16xf32>,
      %parallel_loop3A_293 = arith.index_cast %parallel_loop3A_288 : i32 to index
      %parallel_loop3A_294 = tpu.vector_load %arg9[%parallel_loop3A_293] {strides = array<i32>} : memref<2048xi32, #tpu.memory_space<vmem>>, vector<16xi32>,
      %parallel_loop3A_295 = tpu.vector_load_idx %arg13[%parallel_loop3A_294] : memref<16xf32, #tpu.memory_space<vmem>>[vector<16xi32>], vector<16xf32>,
      %parallel_loop3A_296 = tpu.vector_load_idx %arg14[%parallel_loop3A_294] : memref<16xf32, #tpu.memory_space<vmem>>[vector<16xi32>], vector<16xf32>,
      %parallel_loop3A_297 = tpu.vector_load_idx %arg15[%parallel_loop3A_294] : memref<16xf32, #tpu.memory_space<vmem>>[vector<16xi32>], vector<16xf32>,
      %parallel_loop3A_298 = tpu.vector_load_idx %arg16[%parallel_loop3A_294] : memref<16xf32, #tpu.memory_space<vmem>>[vector<16xi32>], vector<16xf32>,
      %parallel_loop3A_299 = tpu.vector_load_idx %arg17[%parallel_loop3A_294] : memref<16xf32, #tpu.memory_space<vmem>>[vector<16xi32>], vector<16xf32>,
      %parallel_loop3A_300 = tpu.vector_load_idx %arg18[%parallel_loop3A_294] : memref<16xf32, #tpu.memory_space<vmem>>[vector<16xi32>], vector<16xf32>,
      %parallel_loop3A_301 = arith.mulf %parallel_loop3A_298, %parallel_loop3A_290 : vector<16xf32>
      %parallel_loop3A_302 = arith.addf %parallel_loop3A_296, %parallel_loop3A_301 : vector<16xf32>
      %parallel_loop3A_303 = arith.mulf %parallel_loop3A_299, %parallel_loop3A_292 : vector<16xf32>
      %parallel_loop3A_304 = arith.addf %parallel_loop3A_302, %parallel_loop3A_303 : vector<16xf32>
      %parallel_loop3A_305 = arith.mulf %parallel_loop3A_290, %parallel_loop3A_304 : vector<16xf32>
      %parallel_loop3A_306 = arith.addf %parallel_loop3A_295, %parallel_loop3A_305 : vector<16xf32>
      %parallel_loop3A_307 = arith.mulf %parallel_loop3A_300, %parallel_loop3A_292 : vector<16xf32>
      %parallel_loop3A_308 = arith.addf %parallel_loop3A_297, %parallel_loop3A_307 : vector<16xf32>
      %parallel_loop3A_309 = arith.mulf %parallel_loop3A_292, %parallel_loop3A_308 : vector<16xf32>
      %parallel_loop3A_310 = arith.addf %parallel_loop3A_306, %parallel_loop3A_309 : vector<16xf32>
      %parallel_loop3A_311 = arith.index_cast %parallel_loop3A_288 : i32 to index
      %parallel_loop3A_312 = tpu.vector_load %arg10[%parallel_loop3A_311] {strides = array<i32>} : memref<2048xf32, #tpu.memory_space<vmem>>, vector<16xf32>,
      tpu.vector_store %arg10[%parallel_loop3A_311], %parallel_loop3A_310 {strides = array<i32>} : memref<2048xf32, #tpu.memory_space<vmem>>, vector<16xf32>,
    } {sc.loop_unroll_factor = 8 : i64, sc.parallel_access}
    "tpu.region"() ({
      %run_scoped3A = tpu.sem_alloc : memref<!tpu.dma_semaphore, #tpu.memory_space<semaphore_mem>>
      %dma_start3A_286 = tpu.memref_slice %arg6[%mul3A_2] : memref<65536xf32, #tpu.memory_space<hbm>> -> memref<2048xf32, #tpu.memory_space<hbm>>
      %dma_start3A_287 = tpu.memref_slice %arg6[%mul3A_2] : memref<65536xf32, #tpu.memory_space<hbm>> -> memref<2048xf32, #tpu.memory_space<hbm>>
      tpu.enqueue_dma source(%arg10 : memref<2048xf32, #tpu.memory_space<vmem>>) target(%dma_start3A_287 : memref<2048xf32, #tpu.memory_space<hbm>>) target_semaphore(%run_scoped3A : memref<!tpu.dma_semaphore, #tpu.memory_space<semaphore_mem>>)
      %dma_wait3A_288 = tpu.memref_slice %arg6[%mul3A_2] : memref<65536xf32, #tpu.memory_space<hbm>> -> memref<2048xf32, #tpu.memory_space<hbm>>
      %dma_wait3A_289 = tpu.memref_slice %arg6[%mul3A_2] : memref<65536xf32, #tpu.memory_space<hbm>> -> memref<2048xf32, #tpu.memory_space<hbm>>
      tpu.wait_dma2 semaphore(%run_scoped3A : memref<!tpu.dma_semaphore, #tpu.memory_space<semaphore_mem>>) src(%arg10 : memref<2048xf32, #tpu.memory_space<vmem>>) dst(%dma_wait3A_289 : memref<2048xf32, #tpu.memory_space<hbm>>)
      tpu.yield
    }) : () -> ()
    return
  }
}

</mosaic_0001>

<sc_bundles>
// kernel: kernel.3.cloned.1.call-start
scs
__scs_entry_jumppad:
0x0: {  	(pc) =	sbr.rel $0x88, $3  }
0x1: {  	(tag) =	ssettag $0x0;
	lr =	simm.s32 $0x1  }
0x2: {  	[smem:$0x3F9D] =	sst lr;
	_ =	strace $0xD0000000  }
0x3: {  	_ = 	snop  }
0x4: {  	_ = 	snop  }
0x5: {  	_ = 	snop  }
0x6: {  	_ = 	snop  }
0x7: {  	_ = 	snop  }
__scs_overlays_trampoline_lowered:
0x8: {  	[smem:$0x3FAC] =	sst s0  }
0x9: {  	[smem:$0x3FAD] =	sst s1  }
0xa: {  	[smem:$0x3FAE] =	sst s2  }
0xb: {  	[smem:$0x3FAF] =	sst s3  }
0xc: {  	[smem:$0x3FB0] =	sst s4  }
0xd: {  	[smem:$0x3FB1] =	sst s5  }
0xe: {  	[smem:$0x3FB2] =	sst s6  }
0xf: {  	[smem:$0x3FB3] =	sst s7  }
0x10: {  	[smem:$0x3FB4] =	sst s8  }
0x11: {  	[smem:$0x3FB5] =	sst s9;
	s0 =	simm.s32 @!p0 $0x0  }
0x12: {  	s1 =	sld [smem:$0x3F9B];
	s0 =	simm.s32 @p0 $0x1  }
0x13: {  	[smem:$0x3FB6] =	sst s0;
	s0 =	simm.s32 @!p1 $0x0  }
0x14: {  	s2 =	sld [smem:$0x3F9A];
	s0 =	simm.s32 @p1 $0x1  }
0x15: {  	[smem:$0x3FB7] =	sst s0;
	s0 =	simm.s32 @!p2 $0x0  }
0x16: {  	s3 =	sld [smem:$0x3FDB];
	s0 =	simm.s32 @p2 $0x1  }
0x17: {  	s4 =	simm.s32 $0x1BF5;
	[smem:$0x3FB9] =	sst s0  }
0x18: {  	s0 =	sld [smem:$0x3F9C];
	_ =	swait.ge [sflag:s4], $0x0  }
0x19: {  	s7 =	sld [smem:$0x3F9D]  }
0x1a: {  	s8 =	sadd.s32 $0xFFFFE003, lr  }
0x1b: {  	s9 =	sadd.s32 $0xFFFFFEF7, lr;
	s5 =	simm.s32 $0xFFFFFFFF;
	p2 =	slt.u32 s8, $0xFFFFF086  }
0x1c: {  	p1 =	slt.u32 s9, $0xF7A;
	s5 =	simm.s32 @!p2 $0x0  }
0x1d: {  	s5 =	simm.s32 @p1 $0x1;
	p0 =	seq.s32 s7, s2  }
0x1e: {  	s7 =	smul.u32 @!p0 $0xF7A, s2;
	p2 =	seq.s32 @!p0 s5, $0x0  }
0x1f: {  	s9 =	smul.u32 $0xF7A, s1;
	s8 =	simm.s32 @!p0 $0x1BF5;
	p2 =	por !p2, p0  }
0x20: {  	[sflag:s8] =	ssyncset.s32 @!p0 $0xFFFFF086;
	s6 =	sadd.s32 @!p0 s3, s7;
	s7 =	simm.s32 @!p0 $0x108  }
0x21: {  	s3 =	sadd.s32 s3, s9;
	s6 =	sadd.s32 @!p0 $0x88, s6;
	s7 =	simm.s32 @p2 $0x1082  }
0x22: {  	[simem:s7], [sflag:s8] =	dma.local @!p0 [hbm:s6], $0xF7A  }
0x23: {  	s9 =	sor.u32 $0xD0000000, s2;
	s6 =	simm.s32 $0x108;
	_ =	swait.ge @!p0 [sflag:s8], $0x0  }
0x24: {  	s3 =	sadd.s32 $0x88, s3;
	s6 =	simm.s32 @!p1 $0x1082;
	[sflag:s4] =	ssyncset.s32 $0xFFFFF086  }
0x25: {  	[simem:s6], [sflag:s4] =	dma.local [hbm:s3], $0xF7A  }
0x26: {  	[smem:$0x3F9D] =	sst s1;
	(tag) =	ssettag s2;
	_ =	strace s9  }
0x27: {  	s1 =	sld [smem:$0x3FAD]  }
0x28: {  	s2 =	sld [smem:$0x3FAE]  }
0x29: {  	s4 =	sld [smem:$0x3FB0]  }
0x2a: {  	p0 =	seq.s32 s5, $0x0;
	s5 =	sld [smem:$0x3FB1]  }
0x2b: {  	s6 =	sld [smem:$0x3FB2]  }
0x2c: {  	s7 =	sld [smem:$0x3FB3]  }
0x2d: {  	s3 =	simm.s32 $0x108;
	s8 =	sld [smem:$0x3FB4]  }
0x2e: {  	s3 =	simm.s32 @!p0 $0x1082;
	s9 =	sld [smem:$0x3FB5]  }
0x2f: {  	lr =	sadd.s32 s0, s3;
	s0 =	sld [smem:$0x3FAC]  }
0x30: {  	s3 =	sld [smem:$0x3FAF]  }
0x31: {  	[smem:$0x3FB8] =	sst s10  }
0x32: {  	s10 =	sld [smem:$0x3FB6];
	_ =	sdelay $0x3  }
0x33: {  	p0 =	seq.s32 s10, $0x1;
	s10 =	sld [smem:$0x3FB8];
	_ =	sdelay $0x3  }
0x34: {  	[smem:$0x3FB8] =	sst s10  }
0x35: {  	s10 =	sld [smem:$0x3FB7];
	_ =	sdelay $0x3  }
0x36: {  	p1 =	seq.s32 s10, $0x1;
	s10 =	sld [smem:$0x3FB8];
	_ =	sdelay $0x3  }
0x37: {  	[smem:$0x3FB8] =	sst s10  }
0x38: {  	s10 =	sld [smem:$0x3FB9]  }
0x39: {  	_ = 	snop;
	(pc) =	sbr.ind lr, $3  }
0x3a: {  	_ = 	snop  }
0x3b: {  	_ = 	snop  }
0x3c: {  	p2 =	seq.s32 s10, $0x1;
	s10 =	sld [smem:$0x3FB8]  }
0x3d: {  	_ =	shalt  }
0x3e: {  	_ =	shalt  }
0x3f: {  	_ =	shalt  }
0x40: {  	_ =	shalt  }
0x41: {  	_ =	shalt  }
0x42: {  	_ =	shalt  }
0x43: {  	_ =	shalt  }
0x44: {  	_ =	shalt  }
0x45: {  	_ =	shalt  }
0x46: {  	_ =	shalt  }
0x47: {  	_ =	shalt  }
0x48: {  	_ =	shalt  }
0x49: {  	_ =	shalt  }
0x4a: {  	_ =	shalt  }
0x4b: {  	_ =	shalt  }
0x4c: {  	_ =	shalt  }
0x4d: {  	_ =	shalt  }
0x4e: {  	_ =	shalt  }
0x4f: {  	_ =	shalt  }
0x50: {  	_ =	shalt  }
0x51: {  	_ =	shalt  }
0x52: {  	_ =	shalt  }
0x53: {  	_ =	shalt  }
0x54: {  	_ =	shalt  }
0x55: {  	_ =	shalt  }
0x56: {  	_ =	shalt  }
0x57: {  	_ =	shalt  }
0x58: {  	_ =	shalt  }
0x59: {  	_ =	shalt  }
0x5a: {  	_ =	shalt  }
0x5b: {  	_ =	shalt  }
0x5c: {  	_ =	shalt  }
0x5d: {  	_ =	shalt  }
0x5e: {  	_ =	shalt  }
0x5f: {  	_ =	shalt  }
0x60: {  	_ =	shalt  }
0x61: {  	_ =	shalt  }
0x62: {  	_ =	shalt  }
0x63: {  	_ =	shalt  }
0x64: {  	_ =	shalt  }
0x65: {  	_ =	shalt  }
0x66: {  	_ =	shalt  }
0x67: {  	_ =	shalt  }
0x68: {  	_ =	shalt  }
0x69: {  	_ =	shalt  }
0x6a: {  	_ =	shalt  }
0x6b: {  	_ =	shalt  }
0x6c: {  	_ =	shalt  }
0x6d: {  	_ =	shalt  }
0x6e: {  	_ =	shalt  }
0x6f: {  	_ =	shalt  }
0x70: {  	_ =	shalt  }
0x71: {  	_ =	shalt  }
0x72: {  	_ =	shalt  }
0x73: {  	_ =	shalt  }
0x74: {  	_ =	shalt  }
0x75: {  	_ =	shalt  }
0x76: {  	_ =	shalt  }
0x77: {  	_ =	shalt  }
0x78: {  	_ =	shalt  }
0x79: {  	_ =	shalt  }
0x7a: {  	_ =	shalt  }
0x7b: {  	_ =	shalt  }
0x7c: {  	_ =	shalt  }
0x7d: {  	_ =	shalt  }
0x7e: {  	_ =	shalt  }
0x7f: {  	_ =	shalt  }
0x80: {  	_ =	shalt  }
0x81: {  	_ =	shalt  }
0x82: {  	_ =	shalt  }
0x83: {  	_ =	shalt  }
0x84: {  	_ =	shalt  }
0x85: {  	_ =	shalt  }
0x86: {  	_ =	shalt  }
0x87: {  	_ =	shalt  }
.Lfunc_end0:
.L_simem_size_0:
called_computation_lowered:
.L_overlay_start_0:
0x88: {  	s2 =	sld [smem:$0x3FD9]  }
0x89: {  	s3 =	sld [smem:$0x3FFE];
	_ =	sdelay $0x1  }
0x8a: {  	s1 =	srdreg.scid  }
0x8b: {  	s0 =	sand.u32 $0x1, s1  }
0x8c: {  	s18 =	sshll.u32 s0, $0xA;
	s2 =	sadd.s32 s3, s2  }
0x8d: {  	s2 =	sadd.s32 s2, s18  }
0x8e: {  	[smem:$0x3FC4] =	sst s2  }
0x8f: {  	_ = 	snop  }
0x90: {  	s2 =	sld [smem:$0x3FC9]  }
0x91: {  	s19 =	sld [smem:$0x3FC8]  }
0x92: {  	s4 =	sld [smem:$0x3FC7]  }
0x93: {  	s5 =	sld [smem:$0x3FC6]  }
0x94: {  	s6 =	sld [smem:$0x3FD0];
	(tm) =	ssettm $0x1  }
0x95: {  	s7 =	sld [smem:$0x3FFB];
	_ =	sdelay $0x3  }
0x96: {  	_ =	strace s7  }
0x97: {  	s7 =	sld [smem:$0x3FFC];
	_ =	sdelay $0x3  }
0x98: {  	_ =	strace s7  }
0x99: {  	s7 =	sld [smem:$0x3FFD];
	_ =	sdelay $0x3  }
0x9a: {  	_ =	strace s7  }
0x9b: {  	_ =	strace $0x8FFFFFFF  }
0x9c: {  	s20 =	sld [smem:$0x3FDB];
	_ =	sdelay $0x1  }
0x9d: {  	s8 =	simm.s32 $_scs_section_size  }
0x9e: {  	s9 =	simm.s32 $_size__tile_overlayer_lowered;
	s10 =	simm.s32 $_tile_overlayer_lowered  }
0x9f: {  	s23 =	simm.s32 $0x1BFF;
	s22 =	sshll.u32 s10, $0x1;
	s7 =	sadd.s32 s8, s20  }
0xa0: {  	s11 =	simm.s32 $0x0;
	s21 =	sshll.u32 s9, $0x1;
	s9 =	sadd.s32 s22, s7  }
0xa1: {  	[timem:s11], [sflag:s23] =	dma.local [hbm:s9], s21  }
0xa2: {  	_ =	swait.ge [sflag:s23], s21  }
0xa3: {  	s8 =	ssub.s32 $0x0, s21;
	[sflag:s23] =	ssyncset.done $0x0  }
0xa4: {  	[sflag:s23] =	ssyncadd.s32 s8;
	_ =	sdelay $0x1  }
0xa5: {  	s24 =	simm.s32 $0x1B8B  }
0xa6: {  	_ =	swait.ge [sflag:s24], $0x1  }
0xa7: {  	[sflag:s24] =	ssyncset.done $0x0  }
0xa8: {  	s25 =	simm.s32 $0x1B8E;
	[sflag:s24] =	ssyncadd.s32 $0xFFFFFFFF  }
0xa9: {  	s26 =	simm.s32 $execute0_lowered;
	[smem:$0x3FD2] =	sst s25  }
0xaa: {  	s8 =	sshll.u32 s26, $0x1;
	_ =	strace $0x80000046;
	[dreg:$0x1] =	wrdreg $0xFFFFFFFF  }
0xab: {  	s28 =	simm.s32 $_size_execute0_lowered;
	s7 =	sadd.s32 s7, s8;
	[dreg:$0x0] =	wrdreg $0x0  }
0xac: {  	s8 =	sshll.u32 s28, $0x1;
	[dreg:$0x2] =	wrdreg s7  }
0xad: {  	[dreg:$0x3] =	wrdreg s8  }
0xae: {  	[dreg:$0x4] =	wrdreg $0xC0  }
0xaf: {  	_ =	task [dreg:s11], $0x5FFFF  }
0xb0: {  	[dreg:$0x1] =	wrdreg $0xFFFFFFFF  }
0xb1: {  	[dreg:$0x0] =	wrdreg $0x60  }
0xb2: {  	[dreg:$0x2] =	wrdreg s2  }
0xb3: {  	[dreg:$0x3] =	wrdreg s19  }
0xb4: {  	[dreg:$0x4] =	wrdreg s4  }
0xb5: {  	[dreg:$0x5] =	wrdreg s5  }
0xb6: {  	[dreg:$0x6] =	wrdreg s6  }
0xb7: {  	[dreg:$0x7] =	wrdreg $0x9  }
0xb8: {  	_ =	task.clear_ibuf [dreg:s11], $0x8FFFF;
	_ =	strace $0x90000046  }
0xb9: {  	s29 =	simm.s32 $0x9;
	_ =	strace $0x80000048  }
0xba: {  	_ =	swait.ge [sflag:s29], $0x1  }
0xbb: {  	[sflag:s29] =	ssyncadd.s32 $0xFFFFFFFF  }
0xbc: {  	_ =	strace $0x90000048  }
0xbd: {  	_ =	sfence  }
0xbe: {  	s30 =	sld [smem:$0x0];
	_ =	sdelay $0x2  }
0xbf: {  	s31 =	sshll.u32 s1, $0xD;
	s1 =	sshrl.u32 s1, $0x2  }
0xc0: {  	s3 =	sand.u32 $0x4000, s31;
	s1 =	sadd.s32 s1, s30  }
0xc1: {  	s0 =	sor.u32 s3, s0;
	s1 =	sshll.u32 s1, $0x11  }
0xc2: {  	s0 =	sor.u32 s1, s0  }
0xc3: {  	s0 =	sadd.s32 $0x8F2B, s0  }
0xc4: {  	[sflag:s0] =	ssyncadd.remote.s32 $0x1  }
0xc5: {  	_ =	sfence.sel $0xFFFF  }
0xc6: {  	[dreg:$0x0] =	wrdreg $0xFFFFFFFF;
	(pc) =	sbr.abs _section_cstart, $3  }
0xc7: {  	[dreg:$0x1] =	wrdreg $0xFFFFFFFF  }
0xc8: {  	_ =	task.clear_ibuf [dreg:s11], $0x2FFFF;
	_ =	strace $0x9FFFFFFF  }
0xc9: {  	(tm) =	ssettm $0x7FFFFFFF  }
tec
execute0_lowered:
.L_overlay_start_1:
0x0: {  	(tag) =	ssettag $0x1  }
0x1: {  	v0 =	vimm.s32 $0xFDCBA;
	v1 =	vimm.s32 $0x12111000;
	v2 =	vimm.s32 $0x87653210  }
0x2: {  	vm0 =	vcmask $0x1F14;
	v3 =	vimm.s32 $0x98764321;
	v4 =	vimm.s32 $0x13121110  }
0x3: {  	vm15 =	vcmask $0x1F10;
	v5 =	vimm.s32 $0x18171615;
	v6 =	vimm.s32 $0x9291908F  }
0x4: {  	v7 =	vimm.s32 $0xEDCB9876;
	v9 =	vimm.s32 $0x83828180;
	v10 =	vimm.s32 $0x88878685  }
0x5: {  	v11 =	vimm.s32 $0x8E8D8C8B;
	v12 =	vimm.s32 $0x93929190;
	v13 =	vimm.s32 $0x84838281  }
0x6: {  	v14 =	vimm.s32 $0x89888786;
	v15 =	vimm.s32 $0x98979695;
	v16 =	vimm.s32 $0x97969594  }
0x7: {  	v0 =	vunpack.c.l.s4.s8 v0;
	v1 =	vunpack.c.0.s8.s32 v1;
	v2 =	vunpack.c.l.s4.s8 v2  }
0x8: {  	v4 =	vunpack.c.0.s8.s32 v4;
	v5 =	vunpack.c.0.s8.s32 v5;
	v6 =	vunpack.c.0.s8.s32 v6  }
0x9: {  	v7 =	vunpack.c.l.s4.s8 v7;
	v9 =	vunpack.c.0.s8.s32 v9;
	v0 =	vunpack.c.0.s8.s32 v0  }
0xa: {  	v10 =	vunpack.c.0.s8.s32 v10;
	v11 =	vunpack.c.0.s8.s32 v11;
	v12 =	vunpack.c.0.s8.s32 v12  }
0xb: {  	s1 =	rddreg [dreg:$0x0];
	v13 =	vunpack.c.0.s8.s32 v13;
	v14 =	vunpack.c.0.s8.s32 v14;
	v0 =	vand.u32 $0xF, v0  }
0xc: {  	s3 =	rddreg [dreg:$0x1];
	v2 =	vunpack.c.0.s8.s32 v2;
	v0 =	vsel vm0, v1, v0;
	v1 =	vunpack.c.l.s4.s8 v3  }
0xd: {  	s0 =	rddreg [dreg:$0x2];
	s4 =	srdreg.scid;
	v15 =	vunpack.c.0.s8.s32 v15;
	v61 =	vunpack.c.0.s8.s32 v16;
	v3 =	vimm.s32 $0xE0D0C0B  }
0xe: {  	s2 =	rddreg [dreg:$0x3];
	s6 =	stileid.u32;
	v2 =	vand.u32 $0xF, v2;
	v3 =	vunpack.c.0.s8.s32 v3;
	v1 =	vunpack.c.0.s8.s32 v1  }
0xf: {  	s8 =	rddreg [dreg:$0x4];
	s10 =	simm.s32 $0x80;
	s12 =	simm.s32 $0x800;
	v9 =	vsel vm15, v10, v9;
	v60 =	vsel vm15, v12, v11;
	v0 =	vcombine.low v2, v0  }
0x10: {  	s11 =	simm.s32 $0x100;
	s13 =	simm.s32 $0x1000;
	s14 =	simm.s32 $0x2000;
	v2 =	vimm.s32 $0x1211100F;
	v3 =	vsel vm15, v4, v3;
	v1 =	vand.u32 $0xF, v1  }
0x11: {  	s15 =	simm.s32 $0x2100;
	s16 =	simm.s32 $0x3;
	s17 =	simm.s32 $0x1;
	v1 =	vcombine.low v1, v3;
	v3 =	vsel vm15, v5, v4;
	v4 =	vimm.s32 $0x17161514  }
0x12: {  	s18 =	simm.s32 $0x2;
	s19 =	simm.s32 $0x2180;
	s20 =	simm.s32 $0x2200;
	v13 =	vsel vm15, v14, v13;
	v2 =	vunpack.c.0.s8.s32 v2;
	v4 =	vunpack.c.0.s8.s32 v4  }
0x13: {  	s21 =	simm.s32 $0x2280;
	s22 =	simm.s32 $0x2300;
	s23 =	simm.s32 $0x2380;
	v12 =	vsel vm15, v15, v12;
	v11 =	vsel vm15, v11, v14;
	v5 =	vimm.s32 $0x8D8C8B8A  }
0x14: {  	s24 =	simm.s32 $0x2400;
	s25 =	simm.s32 $0x1800;
	s28 =	simm.s32 $0x0;
	v5 =	vunpack.c.0.s8.s32 v5;
	v4 =	vsel vm15, v4, v2;
	v2 =	vimm.s32 $0xDCBA8765  }
0x15: {  	s5 =	sand.u32 $0x1, s4;
	s6 =	sshll.u32 s6, $0xC;
	s4 =	simm.s32 $0x0;
	v7 =	vunpack.c.0.s8.s32 v7;
	v11 =	vcombine.low v11, v12;
	v2 =	vunpack.c.l.s4.s8 v2  }
0x16: {  	s7 =	sshll.u32 s5, $0xB;
	[smem:$0x7FF] =	sst s4;
	s26 =	ssub.s32 $0x2, s5;
	v8 =	vsel vm15, v6, v5;
	v6 =	vsel vm15, v61, v6;
	v5 =	vsel vm15, v5, v10  }
0x17: {  	s7 =	sor.u32 s7, s6;
	_ =	strace $0x80000047;
	s9 =	sshrl.u32 s26, $0x1;
	v8 =	vcombine.low v9, v8;
	v9 =	vcombine.low v13, v60;
	v2 =	vunpack.c.0.s8.s32 v2  }
0x18: {  	s29 =	sshrl.u32 s7, $0x2;
	s30 =	ssub.s32 s26, s9;
	s31 =	sshrl.u32 s7, $0x3;
	v7 =	vand.u32 $0xF, v7;
	v63 =	vcombine.low v5, v6;
	v6 =	vand.u32 $0xFF, v11  }
0x19: {  	s26 =	simm.s32 $0x4;
	s5 =	sadd.s32 s1, s29;
	s7 =	sadd.s32 s3, s31;
	v5 =	vand.u32 $0xFF, v9;
	v62 =	vand.u32 $0xF, v2;
	v2 =	vcombine.low v7, v3  }
0x1a: {  	s8 =	sadd.s32 s8, s31;
	s9 =	smax.u32 s30, $0x1;
	s6 =	sadd.s32 $0x10, s5;
	v7 =	vand.u32 $0xFF, v63;
	v3 =	vcombine.low v62, v4;
	v4 =	vand.u32 $0xFF, v8  }
.LBB2_1:
0x1b: {  	[tilespmem:s4], [sflag:$0x1] =	stream.strided.gather [hbm4b:s5+s10], $0x800, s11, s10, $0x38;
	[tilespmem:$0x2480] =	vst v63  }
0x1c: {  	_ = 	snop  }
0x1d: {  	[tilespmem:s12], [sflag:$0x1] =	stream.strided.gather [hbm4b:s6+s10], $0x800, s11, s10, $0x38;
	[tilespmem:$0x2480] =	vst v63  }
0x1e: {  	_ = 	snop  }
0x1f: {  	[tilespmem:s13], [sflag:$0x2] =	stream.linear.gather [hbm4b:s7+s4], $0x800, $0x38;
	[tilespmem:$0x2480] =	vst v63  }
0x20: {  	_ = 	snop  }
0x21: {  	[tilespmem:s14], [sflag:$0x3] =	stream.linear.gather [hbm4b:s0+s4], $0x100, $0x38;
	[tilespmem:$0x2480] =	vst v63  }
0x22: {  	_ = 	snop  }
0x23: {  	[tilespmem:s15], [sflag:$0x3] =	stream.linear.gather [hbm4b:s2+s4], $0x80, $0x38;
	[tilespmem:$0x2480] =	vst v63  }
0x24: {  	_ =	swait.ge [sflag:s16], $0x100  }
0x25: {  	[sflag:s16] =	ssyncset.done $0x0  }
0x26: {  	[sflag:s16] =	ssyncadd.s32 $0xFFFFFF00  }
0x27: {  	_ =	swait.ge [sflag:s16], $0x80  }
0x28: {  	[sflag:s16] =	ssyncset.done $0x0  }
0x29: {  	[sflag:s16] =	ssyncadd.s32 $0xFFFFFF80  }
0x2a: {  	v12 =	vld.idx.msk [tilespmem:v0+s14+$0x0], $0xffff  }
0x2b: {  	v17 =	vld.idx.msk [tilespmem:v1+s14+$0x0], $0xffff  }
0x2c: {  	v11 =	vld.idx.msk [tilespmem:v2+s14+$0x0], $0xffff  }
0x2d: {  	v18 =	vld.idx.msk [tilespmem:v3+s14+$0x0], $0xffff  }
0x2e: {  	v19 =	vld.idx.msk [tilespmem:v5+s14+$0x0], $0xffff  }
0x2f: {  	v14 =	vld.idx.msk [tilespmem:v6+s14+$0x0], $0xffff  }
0x30: {  	v16 =	vld.idx.msk [tilespmem:v4+s14+$0x0], $0xffff  }
0x31: {  	v20 =	vld.idx.msk [tilespmem:v7+s14+$0x0], $0xffff;
	_ =	sdelay $0x2  }
0x32: {  	v21 =	vsub.f32 v19, v14;
	v22 =	vsub.f32 v11, v17  }
0x33: {  	v8 =	vsub.f32 v16, v19;
	v10 =	vsub.f32 v12, v17  }
0x34: {  	v23 =	vsub.f32 v20, v14;
	v24 =	vsub.f32 v11, v18  }
0x35: {  	v25 =	vsub.f32 v16, v20;
	v15 =	vsub.f32 v12, v18  }
0x36: {  	v9 =	vmul.f32 v8, v22;
	v13 =	vmul.f32 v21, v10  }
0x37: {  	v26 =	vmul.f32 v25, v24;
	v27 =	vmul.f32 v23, v15  }
0x38: {  	v29 =	vsub.f32 v18, v11  }
0x39: {  	v9 =	vadd.f32 v13, v9;
	v13 =	vadd.f32 v27, v26  }
0x3a: {  	v31 =	vsub.f32 v18, v12;
	v33 =	vsub.f32 v19, v16;
	v30 =	vmul.f32 v21, v17  }
0x3b: {  	v28 =	vsub.f32 v14, v20;
	v34 =	vmul.f32 v21, v29;
	v9 =	vmul.f32 v13, v9  }
0x3c: {  	v39 =	vsub.f32 v20, v16;
	v37 =	vmul.f32 v33, v31;
	v49 =	vmul.f32 v21, v24  }
0x3d: {  	v50 =	vmul.f32 v23, v22;
	v13 =	vsub.f32 $0.0e+00, v24;
	(erf) = vrcp.f32 v9  }
0x3e: {  	v56 =	vmul.f32 v28, v11;
	v40 =	vmul.f32 v25, v12;
	v9 =	vsub.f32 $0.0e+00, v22  }
0x3f: {  	v42 =	vmul.f32 v28, v15;
	v32 =	vmul.f32 v20, v13;
	v13 =	vsub.f32 v17, v12  }
0x40: {  	v43 =	vmul.f32 v39, v24;
	v27 =	vmul.f32 v19, v9;
	v9 =	vsub.f32 v17, v11  }
0x41: {  	v41 =	vsub.f32 v14, v19;
	v12 =	vmul.f32 v8, v12;
	v38 =	vmul.f32 v25, v13  }
0x42: {  	v55 =	vsub.f32 $0.0e+00, v31;
	v26 =	vld.idx.msk [tilespmem:v0+s15+$0x0], $0xffff;
	v17 =	vmul.f32 v33, v17;
	v35 =	vmul.f32 v28, v9  }
0x43: {  	v11 =	vmul.f32 v41, v11;
	v27 =	vsub.f32 v27, v30;
	v30 =	vmul.f32 v23, v18  }
0x44: {  	v44 =	vadd.f32 v38, v37;
	v37 =	vmul.f32 v55, v16;
	v34 =	vadd.f32 v35, v34  }
0x45: {  	v55 =	vmul.f32 v41, v29;
	v18 =	vmul.f32 v39, v18;
	v30 =	vsub.f32 v32, v30  }
0x46: {  	v46 =	vmul.f32 v27, v23;
	v34 =	vmul.f32 v44, v34;
	v36 =	vpop (erf)  }
0x47: {  	v47 =	vmul.f32 v30, v21;
	v26 =	vmul.f32 v36, v26  }
0x48: {  	v53 =	vsub.f32 $0.0e+00, v29;
	v48 =	vmul.f32 v30, v22;
	v44 =	vmul.f32 v41, v10  }
0x49: {  	(erf) = vrcp.f32 v34;
	v35 =	vadd.f32 v47, v46;
	v45 =	vmul.f32 v26, v27  }
0x4a: {  	v51 =	vadd.f32 v50, v49;
	v27 =	vmul.f32 v27, v24;
	v21 =	vmul.f32 v26, v21  }
0x4b: {  	v59 =	vadd.f32 v43, v42;
	v52 =	vmul.f32 v26, v35;
	v35 =	vmul.f32 v14, v53  }
0x4c: {  	v32 =	vmul.f32 v26, v51;
	v53 =	vmul.f32 v39, v13;
	v27 =	vadd.f32 v48, v27  }
0x4d: {  	v30 =	vmul.f32 v45, v30;
	v21 =	vmul.f32 v21, v23;
	v35 =	vsub.f32 v35, v56  }
0x4e: {  	v45 =	vmul.f32 v33, v22;
	v22 =	vmul.f32 v26, v22;
	v34 =	vadd.f32 $0.0e+00, v52  }
0x4f: {  	v54 =	vld.idx.msk [tilespmem:v1+s15+$0x0], $0xffff;
	v52 =	vsub.f32 $0.0e+00, v15;
	v23 =	vmul.f32 v23, v9;
	v32 =	vadd.f32 $0.0e+00, v32  }
0x50: {  	v27 =	vmul.f32 v26, v27;
	v58 =	vmul.f32 v35, v25;
	v60 =	vadd.f32 v44, v45  }
0x51: {  	v26 =	vsub.f32 v37, v40;
	v62 =	vmul.f32 v35, v31;
	v22 =	vmul.f32 v22, v24  }
0x52: {  	v30 =	vadd.f32 $0.0e+00, v30;
	v20 =	vmul.f32 v20, v52;
	v38 =	vmul.f32 v59, v60  }
0x53: {  	v21 =	vadd.f32 $0.0e+00, v21;
	v61 =	vmul.f32 v26, v28;
	v63 =	vmul.f32 v26, v29;
	v57 =	vpop (erf)  }
0x54: {  	v59 =	vsub.f32 $0.0e+00, v9;
	v36 =	vmul.f32 v57, v54;
	(erf) = vrcp.f32 v38  }
0x55: {  	v47 =	vadd.f32 v61, v58;
	v48 =	vadd.f32 v63, v62;
	v54 =	vmul.f32 v8, v31  }
0x56: {  	v57 =	vsub.f32 $0.0e+00, v10;
	v58 =	vmul.f32 v33, v15;
	v14 =	vmul.f32 v14, v59  }
0x57: {  	v23 =	vadd.f32 v23, v55;
	v24 =	vmul.f32 v36, v35;
	v49 =	vmul.f32 v36, v28  }
0x58: {  	v27 =	vadd.f32 $0.0e+00, v27;
	v50 =	vmul.f32 v36, v48;
	v19 =	vmul.f32 v19, v57  }
0x59: {  	v56 =	vld.idx.msk [tilespmem:v2+s15+$0x0], $0xffff;
	v28 =	vmul.f32 v28, v31;
	v40 =	vadd.f32 v53, v54;
	v24 =	vmul.f32 v24, v26  }
0x5a: {  	v51 =	vmul.f32 v49, v25;
	v25 =	vmul.f32 v25, v29;
	v17 =	vsub.f32 v19, v17  }
0x5b: {  	v18 =	vsub.f32 v20, v18;
	v26 =	vmul.f32 v36, v47;
	v29 =	vmul.f32 v36, v29  }
0x5c: {  	v23 =	vmul.f32 v23, v40;
	v20 =	vadd.f32 v25, v28;
	v25 =	vmul.f32 v17, v39  }
0x5d: {  	v22 =	vadd.f32 $0.0e+00, v22;
	v29 =	vmul.f32 v29, v31;
	v31 =	vmul.f32 v39, v10;
	v19 =	vpop (erf)  }
0x5e: {  	v11 =	vsub.f32 v14, v11;
	(erf) = vrcp.f32 v23;
	v19 =	vmul.f32 v19, v56  }
0x5f: {  	v23 =	vadd.f32 v30, v24;
	v24 =	vmul.f32 v18, v33;
	v30 =	vsub.f32 $0.0e+00, v13  }
0x60: {  	v27 =	vadd.f32 v27, v50;
	v20 =	vmul.f32 v36, v20;
	v28 =	vmul.f32 v19, v18  }
0x61: {  	v24 =	vadd.f32 v24, v25;
	v16 =	vmul.f32 v16, v30;
	v18 =	vmul.f32 v18, v10  }
0x62: {  	v26 =	vadd.f32 v34, v26;
	v25 =	vmul.f32 v28, v17;
	v17 =	vmul.f32 v17, v15  }
0x63: {  	v22 =	vadd.f32 v22, v29;
	v24 =	vmul.f32 v19, v24;
	v12 =	vsub.f32 v16, v12;
	v28 =	vld.idx.msk [tilespmem:v3+s15+$0x0], $0xffff  }
0x64: {  	v29 =	vmul.f32 v19, v39;
	v15 =	vmul.f32 v19, v15;
	v17 =	vadd.f32 v18, v17  }
0x65: {  	v14 =	vadd.f32 v23, v25;
	v23 =	vadd.f32 v26, v24;
	v24 =	vmul.f32 v12, v41  }
0x66: {  	v18 =	vadd.f32 v31, v58;
	v25 =	vmul.f32 v11, v8;
	v26 =	vmul.f32 v11, v13  }
0x67: {  	v21 =	vadd.f32 v21, v51;
	v10 =	vmul.f32 v15, v10;
	v30 =	vpop (erf);
	v17 =	vmul.f32 v19, v17  }
0x68: {  	v20 =	vadd.f32 v32, v20;
	v18 =	vmul.f32 v19, v18;
	v16 =	vmul.f32 v30, v28  }
0x69: {  	v15 =	vadd.f32 v25, v24;
	v24 =	vmul.f32 v41, v13;
	v28 =	vmul.f32 v29, v33  }
0x6a: {  	v10 =	vadd.f32 v22, v10;
	v19 =	vmul.f32 v16, v12;
	v12 =	vmul.f32 v12, v9  }
0x6b: {  	v17 =	vadd.f32 v27, v17;
	v15 =	vmul.f32 v16, v15;
	v13 =	vmul.f32 v16, v13  }
0x6c: {  	v11 =	vmul.f32 v19, v11;
	v12 =	vadd.f32 v26, v12;
	v19 =	vmul.f32 v8, v9  }
0x6d: {  	v8 =	vmul.f32 v16, v8;
	v15 =	vadd.f32 v23, v15;
	v9 =	vmul.f32 v13, v9  }
0x6e: {  	v11 =	vadd.f32 v14, v11;
	v12 =	vmul.f32 v16, v12;
	v14 =	vadd.f32 v24, v19  }
0x6f: {  	v21 =	vadd.f32 v21, v28;
	v8 =	vmul.f32 v8, v41;
	[tilespmem:$0x2200] =	vst v15;
	v9 =	vadd.f32 v10, v9  }
0x70: {  	v18 =	vadd.f32 v20, v18;
	v12 =	vadd.f32 v17, v12;
	v14 =	vmul.f32 v16, v14;
	[tilespmem:$0x2180] =	vst v11  }
0x71: {  	v8 =	vadd.f32 v21, v8;
	[tilespmem:$0x2400] =	vst v9  }
0x72: {  	v11 =	vadd.f32 v18, v14;
	[tilespmem:$0x2280] =	vst v12  }
0x73: {  	[tilespmem:$0x2300] =	vst v8  }
0x74: {  	[tilespmem:$0x2380] =	vst v11  }
0x75: {  	_ =	swait.ge [sflag:s17], $0x800  }
0x76: {  	[sflag:s17] =	ssyncset.done $0x0  }
0x77: {  	[sflag:s17] =	ssyncadd.s32 $0xFFFFF800  }
0x78: {  	_ =	swait.ge [sflag:s17], $0x800  }
0x79: {  	[sflag:s17] =	ssyncset.done $0x0  }
0x7a: {  	[sflag:s17] =	ssyncadd.s32 $0xFFFFF800  }
0x7b: {  	_ =	swait.ge [sflag:s18], $0x800  }
0x7c: {  	[sflag:s18] =	ssyncset.done $0x0  }
0x7d: {  	s1 =	simm.s32 $0x1040;
	[sflag:s18] =	ssyncadd.s32 $0xFFFFF800  }
0x7e: {  	v9 =	vld [tilespmem:s1+$0x30]  }
0x7f: {  	v10 =	vld [tilespmem:s1+$0xFFFFFFC0]  }
0x80: {  	v11 =	vld [tilespmem:s1+$0xFFFFFFD0]  }
0x81: {  	v12 =	vld [tilespmem:s1+$0xFFFFFFE0]  }
0x82: {  	v13 =	vld [tilespmem:s1+$0xFFFFFFF0]  }
0x83: {  	v15 =	vld [tilespmem:s1+$0x0]  }
0x84: {  	s29 =	simm.s32 $0x40;
	v8 =	vld [tilespmem:s1+$0x10]  }
0x85: {  	s30 =	simm.s32 $0x840;
	v14 =	vld [tilespmem:s29+$0x30]  }
0x86: {  	v19 =	vld [tilespmem:s30+$0x30]  }
0x87: {  	v29 =	vld [tilespmem:s1+$0x20]  }
0x88: {  	v30 =	vld [tilespmem:s29+$0xFFFFFFD0]  }
0x89: {  	v31 =	vld [tilespmem:s29+$0xFFFFFFE0]  }
0x8a: {  	v32 =	vld [tilespmem:s29+$0xFFFFFFF0]  }
0x8b: {  	v33 =	vld [tilespmem:s29+$0x0]  }
0x8c: {  	v34 =	vld [tilespmem:s29+$0x10]  }
0x8d: {  	v35 =	vld [tilespmem:s29+$0x20]  }
0x8e: {  	v36 =	vld [tilespmem:s29+$0xFFFFFFC0]  }
0x8f: {  	v51 =	vld [tilespmem:s30+$0xFFFFFFC0]  }
0x90: {  	v52 =	vld [tilespmem:s30+$0xFFFFFFD0]  }
0x91: {  	v53 =	vld [tilespmem:s30+$0xFFFFFFE0]  }
0x92: {  	v54 =	vld [tilespmem:s30+$0xFFFFFFF0]  }
0x93: {  	v55 =	vld [tilespmem:s30+$0x0]  }
0x94: {  	v56 =	vld [tilespmem:s30+$0x10]  }
0x95: {  	v16 =	vld.idx.msk [tilespmem:v9+s22+$0x0], $0xffff  }
0x96: {  	v17 =	vld.idx.msk [tilespmem:v9+s20+$0x0], $0xffff  }
0x97: {  	v18 =	vld.idx.msk [tilespmem:v9+s23+$0x0], $0xffff  }
0x98: {  	v20 =	vld.idx.msk [tilespmem:v9+s24+$0x0], $0xffff  }
0x99: {  	v21 =	vld.idx.msk [tilespmem:v9+s21+$0x0], $0xffff  }
0x9a: {  	v22 =	vld.idx.msk [tilespmem:v10+s22+$0x0], $0xffff  }
0x9b: {  	v9 =	vld.idx.msk [tilespmem:v9+s19+$0x0], $0xffff  }
0x9c: {  	v23 =	vld.idx.msk [tilespmem:v11+s22+$0x0], $0xffff  }
0x9d: {  	v24 =	vld.idx.msk [tilespmem:v12+s22+$0x0], $0xffff  }
0x9e: {  	v25 =	vld.idx.msk [tilespmem:v13+s22+$0x0], $0xffff  }
0x9f: {  	v26 =	vld.idx.msk [tilespmem:v15+s22+$0x0], $0xffff  }
0xa0: {  	v27 =	vld.idx.msk [tilespmem:v8+s22+$0x0], $0xffff  }
0xa1: {  	v28 =	vld.idx.msk [tilespmem:v29+s22+$0x0], $0xffff  }
0xa2: {  	v37 =	vld.idx.msk [tilespmem:v10+s20+$0x0], $0xffff  }
0xa3: {  	v38 =	vld.idx.msk [tilespmem:v10+s23+$0x0], $0xffff  }
0xa4: {  	v39 =	vld.idx.msk [tilespmem:v11+s20+$0x0], $0xffff  }
0xa5: {  	v40 =	vld.idx.msk [tilespmem:v11+s23+$0x0], $0xffff  }
0xa6: {  	v41 =	vld.idx.msk [tilespmem:v12+s20+$0x0], $0xffff  }
0xa7: {  	v60 =	vld.idx.msk [tilespmem:v12+s23+$0x0], $0xffff  }
0xa8: {  	v61 =	vld.idx.msk [tilespmem:v13+s20+$0x0], $0xffff  }
0xa9: {  	v62 =	vld.idx.msk [tilespmem:v13+s23+$0x0], $0xffff  }
0xaa: {  	v63 =	vld.idx.msk [tilespmem:v15+s20+$0x0], $0xffff  }
0xab: {  	v46 =	vld.idx.msk [tilespmem:v15+s23+$0x0], $0xffff  }
0xac: {  	v47 =	vld.idx.msk [tilespmem:v8+s20+$0x0], $0xffff;
	v16 =	vmul.f32 v16, v14  }
0xad: {  	v49 =	vld.idx.msk [tilespmem:v29+s20+$0x0], $0xffff  }
0xae: {  	v48 =	vld.idx.msk [tilespmem:v8+s23+$0x0], $0xffff;
	v16 =	vadd.f32 v16, v17;
	v17 =	vmul.f32 v18, v19  }
0xaf: {  	v50 =	vld.idx.msk [tilespmem:v29+s23+$0x0], $0xffff;
	v28 =	vmul.f32 v28, v35  }
0xb0: {  	v58 =	vmul.f32 v38, v51;
	v38 =	vld.idx.msk [tilespmem:v15+s24+$0x0], $0xffff;
	v16 =	vadd.f32 v17, v16;
	v17 =	vmul.f32 v20, v19  }
0xb1: {  	v59 =	vmul.f32 v40, v52;
	v40 =	vld.idx.msk [tilespmem:v8+s24+$0x0], $0xffff  }
0xb2: {  	v28 =	vadd.f32 v28, v49;
	v49 =	vld.idx.msk [tilespmem:v11+s21+$0x0], $0xffff;
	v18 =	vmul.f32 v16, v14;
	v16 =	vadd.f32 v17, v21  }
0xb3: {  	v20 =	vmul.f32 v22, v36;
	v14 =	vld [tilespmem:s30+$0x20];
	v17 =	vmul.f32 v23, v30  }
0xb4: {  	v21 =	vld.idx.msk [tilespmem:v10+s24+$0x0], $0xffff;
	v22 =	vmul.f32 v16, v19;
	v16 =	vmul.f32 v24, v31  }
0xb5: {  	v23 =	vld.idx.msk [tilespmem:v11+s24+$0x0], $0xffff;
	v19 =	vadd.f32 v20, v37;
	v20 =	vmul.f32 v25, v32;
	v17 =	vadd.f32 v17, v39  }
0xb6: {  	v24 =	vld.idx.msk [tilespmem:v12+s24+$0x0], $0xffff;
	v25 =	vmul.f32 v26, v33;
	v26 =	vmul.f32 v27, v34;
	v9 =	vadd.f32 v18, v9  }
0xb7: {  	v27 =	vld.idx.msk [tilespmem:v13+s24+$0x0], $0xffff;
	v16 =	vadd.f32 v16, v41;
	v20 =	vadd.f32 v20, v61  }
0xb8: {  	v60 =	vmul.f32 v60, v53;
	v25 =	vadd.f32 v25, v63;
	v26 =	vadd.f32 v26, v47;
	v41 =	vld.idx.msk [tilespmem:v29+s24+$0x0], $0xffff  }
0xb9: {  	v48 =	vmul.f32 v48, v56;
	v19 =	vadd.f32 v58, v19;
	v17 =	vadd.f32 v59, v17;
	v63 =	vld.idx.msk [tilespmem:v10+s21+$0x0], $0xffff  }
0xba: {  	v61 =	vmul.f32 v62, v54;
	v62 =	vmul.f32 v46, v55;
	v58 =	vld.idx.msk [tilespmem:v12+s21+$0x0], $0xffff;
	v22 =	vadd.f32 v22, v9  }
0xbb: {  	v59 =	vld.idx.msk [tilespmem:v29+s21+$0x0], $0xffff;
	v57 =	vmul.f32 v50, v14;
	v23 =	vmul.f32 v23, v52;
	v16 =	vadd.f32 v60, v16  }
0xbc: {  	v9 =	vld.idx.msk [tilespmem:v11+s19+$0x0], $0xffff;
	v36 =	vmul.f32 v19, v36;
	v20 =	vadd.f32 v61, v20;
	v25 =	vadd.f32 v62, v25  }
0xbd: {  	v19 =	vmul.f32 v17, v30;
	v26 =	vadd.f32 v48, v26;
	v30 =	vld.idx.msk [tilespmem:v13+s21+$0x0], $0xffff;
	v61 =	vmul.f32 v40, v56  }
0xbe: {  	v16 =	vmul.f32 v16, v31;
	v17 =	vmul.f32 v25, v33;
	v25 =	vadd.f32 v57, v28;
	v28 =	vld.idx.msk [tilespmem:v15+s21+$0x0], $0xffff  }
0xbf: {  	v31 =	vmul.f32 v21, v51;
	v21 =	vmul.f32 v26, v34;
	v26 =	vld.idx.msk [tilespmem:v8+s21+$0x0], $0xffff  }
0xc0: {  	v11 =	vld.idx.msk [tilespmem:v13+s19+$0x0], $0xffff;
	v24 =	vmul.f32 v24, v53;
	v18 =	vmul.f32 v25, v35  }
0xc1: {  	v60 =	vld.idx.msk [tilespmem:v10+s19+$0x0], $0xffff;
	v25 =	vmul.f32 v27, v54;
	v27 =	vmul.f32 v38, v55;
	v31 =	vadd.f32 v31, v63  }
0xc2: {  	v10 =	vld.idx.msk [tilespmem:v12+s19+$0x0], $0xffff;
	v23 =	vadd.f32 v23, v49;
	v20 =	vmul.f32 v20, v32;
	v63 =	vadd.f32 v24, v58  }
0xc3: {  	s31 =	simm.s32 $0x1840;
	v12 =	vld.idx.msk [tilespmem:v15+s19+$0x0], $0xffff;
	v62 =	vmul.f32 v41, v14;
	v24 =	vmul.f32 v31, v51;
	v13 =	vadd.f32 v27, v28  }
0xc4: {  	[tilespmem:s31+$0x30] =	vst v22;
	v30 =	vadd.f32 v25, v30;
	v25 =	vmul.f32 v63, v53;
	v15 =	vadd.f32 v61, v26  }
0xc5: {  	v27 =	vmul.f32 v23, v52;
	v22 =	vmul.f32 v13, v55;
	v13 =	vld.idx.msk [tilespmem:v8+s19+$0x0], $0xffff;
	v8 =	vadd.f32 v62, v59  }
0xc6: {  	s3 =	simm.s32 $0x0;
	s1 =	simm.s32 $0x10C0;
	v28 =	vadd.f32 v36, v60;
	v26 =	vmul.f32 v30, v54;
	v23 =	vmul.f32 v15, v56;
	v15 =	vld.idx.msk [tilespmem:v29+s19+$0x0], $0xffff  }
.LBB2_2:
0xc7: {  	v29 =	vld [tilespmem:s1+$0x30];
	s3 =	sadd.s32 $0x8, s3;
	v19 =	vadd.f32 v19, v9;
	v14 =	vmul.f32 v8, v14  }
0xc8: {  	v16 =	vadd.f32 v16, v10;
	v8 =	vld [tilespmem:s1+$0xFFFFFFC0];
	p0 =	slt.u32 s3, $0x78;
	v24 =	vadd.f32 v24, v28  }
0xc9: {  	v20 =	vadd.f32 v20, v11;
	v9 =	vld [tilespmem:s1+$0xFFFFFFD0];
	v19 =	vadd.f32 v27, v19  }
0xca: {  	v16 =	vadd.f32 v25, v16;
	v17 =	vadd.f32 v17, v12;
	v10 =	vld [tilespmem:s1+$0xFFFFFFE0];
	[tilespmem:s31+$0xFFFFFFC0] =	vst v24  }
0xcb: {  	v11 =	vld [tilespmem:s1+$0xFFFFFFF0];
	[tilespmem:s31+$0xFFFFFFD0] =	vst v19;
	v19 =	vadd.f32 v26, v20;
	v20 =	vadd.f32 v21, v13  }
0xcc: {  	v15 =	vadd.f32 v18, v15;
	v12 =	vld [tilespmem:s1+$0x0];
	[tilespmem:s31+$0xFFFFFFE0] =	vst v16;
	v16 =	vadd.f32 v22, v17  }
0xcd: {  	s29 =	sadd.s32 $0x80, s29;
	v13 =	vld [tilespmem:s1+$0x10];
	[tilespmem:s31+$0xFFFFFFF0] =	vst v19;
	v17 =	vadd.f32 v23, v20  }
0xce: {  	v14 =	vadd.f32 v14, v15;
	v18 =	vld [tilespmem:s29+$0x30];
	[tilespmem:s31+$0x0] =	vst v16  }
0xcf: {  	v16 =	vld.idx.msk [tilespmem:v29+s22+$0x0], $0xffff;
	[tilespmem:s31+$0x10] =	vst v17  }
0xd0: {  	v17 =	vld.idx.msk [tilespmem:v29+s20+$0x0], $0xffff;
	[tilespmem:s31+$0x20] =	vst v14  }
0xd1: {  	s30 =	sadd.s32 $0x80, s30;
	v14 =	vld.idx.msk [tilespmem:v29+s23+$0x0], $0xffff  }
0xd2: {  	v19 =	vld [tilespmem:s30+$0x30]  }
0xd3: {  	v20 =	vld.idx.msk [tilespmem:v29+s24+$0x0], $0xffff  }
0xd4: {  	v15 =	vld [tilespmem:s1+$0x20]  }
0xd5: {  	v16 =	vmul.f32 v16, v18;
	v21 =	vld.idx.msk [tilespmem:v29+s21+$0x0], $0xffff  }
0xd6: {  	v22 =	vld.idx.msk [tilespmem:v8+s22+$0x0], $0xffff  }
0xd7: {  	v16 =	vadd.f32 v16, v17;
	v23 =	vld.idx.msk [tilespmem:v29+s19+$0x0], $0xffff;
	v14 =	vmul.f32 v14, v19  }
0xd8: {  	v17 =	vld.idx.msk [tilespmem:v9+s22+$0x0], $0xffff  }
0xd9: {  	v24 =	vld.idx.msk [tilespmem:v10+s22+$0x0], $0xffff;
	v14 =	vadd.f32 v14, v16;
	v16 =	vmul.f32 v20, v19  }
0xda: {  	v20 =	vld.idx.msk [tilespmem:v11+s22+$0x0], $0xffff  }
0xdb: {  	v25 =	vld.idx.msk [tilespmem:v12+s22+$0x0], $0xffff;
	v14 =	vmul.f32 v14, v18;
	v16 =	vadd.f32 v16, v21  }
0xdc: {  	v18 =	vld.idx.msk [tilespmem:v13+s22+$0x0], $0xffff  }
0xdd: {  	v21 =	vld.idx.msk [tilespmem:v15+s22+$0x0], $0xffff;
	v14 =	vadd.f32 v14, v23;
	v16 =	vmul.f32 v16, v19  }
0xde: {  	v19 =	vld [tilespmem:s29+$0xFFFFFFD0]  }
0xdf: {  	v23 =	vld [tilespmem:s29+$0xFFFFFFE0];
	v14 =	vadd.f32 v16, v14  }
0xe0: {  	s31 =	sadd.s32 $0x80, s31;
	v26 =	vld [tilespmem:s29+$0xFFFFFFF0]  }
0xe1: {  	v27 =	vld [tilespmem:s29+$0x0];
	[tilespmem:s31+$0x30] =	vst v14  }
0xe2: {  	v28 =	vld [tilespmem:s29+$0x10]  }
0xe3: {  	v14 =	vmul.f32 v17, v19;
	v29 =	vld [tilespmem:s29+$0x20]  }
0xe4: {  	v16 =	vld [tilespmem:s29+$0xFFFFFFC0];
	v17 =	vmul.f32 v24, v23  }
0xe5: {  	v24 =	vld.idx.msk [tilespmem:v8+s20+$0x0], $0xffff;
	v20 =	vmul.f32 v20, v26  }
0xe6: {  	v30 =	vld.idx.msk [tilespmem:v8+s23+$0x0], $0xffff;
	v25 =	vmul.f32 v25, v27  }
0xe7: {  	v31 =	vld.idx.msk [tilespmem:v9+s20+$0x0], $0xffff;
	v18 =	vmul.f32 v18, v28  }
0xe8: {  	v32 =	vld.idx.msk [tilespmem:v9+s23+$0x0], $0xffff;
	v21 =	vmul.f32 v21, v29  }
0xe9: {  	v22 =	vmul.f32 v22, v16;
	v33 =	vld.idx.msk [tilespmem:v10+s20+$0x0], $0xffff  }
0xea: {  	v34 =	vld.idx.msk [tilespmem:v10+s23+$0x0], $0xffff  }
0xeb: {  	v22 =	vadd.f32 v22, v24;
	v24 =	vld.idx.msk [tilespmem:v11+s20+$0x0], $0xffff  }
0xec: {  	v35 =	vld.idx.msk [tilespmem:v11+s23+$0x0], $0xffff  }
0xed: {  	v31 =	vadd.f32 v14, v31;
	v14 =	vld.idx.msk [tilespmem:v12+s20+$0x0], $0xffff  }
0xee: {  	v36 =	vld.idx.msk [tilespmem:v12+s23+$0x0], $0xffff  }
0xef: {  	v17 =	vadd.f32 v17, v33;
	v33 =	vld.idx.msk [tilespmem:v13+s20+$0x0], $0xffff  }
0xf0: {  	v37 =	vld.idx.msk [tilespmem:v13+s23+$0x0], $0xffff  }
0xf1: {  	v20 =	vadd.f32 v20, v24;
	v24 =	vld.idx.msk [tilespmem:v15+s20+$0x0], $0xffff  }
0xf2: {  	v38 =	vld.idx.msk [tilespmem:v15+s23+$0x0], $0xffff  }
0xf3: {  	v25 =	vadd.f32 v25, v14;
	v39 =	vld [tilespmem:s30+$0xFFFFFFC0]  }
0xf4: {  	v40 =	vld [tilespmem:s30+$0xFFFFFFD0]  }
0xf5: {  	v18 =	vadd.f32 v18, v33;
	v41 =	vld [tilespmem:s30+$0xFFFFFFE0]  }
0xf6: {  	v33 =	vld [tilespmem:s30+$0xFFFFFFF0]  }
0xf7: {  	v21 =	vadd.f32 v21, v24;
	v42 =	vld [tilespmem:s30+$0x0]  }
0xf8: {  	v24 =	vmul.f32 v30, v39;
	v30 =	vld [tilespmem:s30+$0x10]  }
0xf9: {  	v32 =	vmul.f32 v32, v40;
	v14 =	vld [tilespmem:s30+$0x20]  }
0xfa: {  	v43 =	vld.idx.msk [tilespmem:v8+s24+$0x0], $0xffff;
	v22 =	vadd.f32 v24, v22;
	v24 =	vmul.f32 v34, v41  }
0xfb: {  	v34 =	vld.idx.msk [tilespmem:v9+s24+$0x0], $0xffff;
	v31 =	vadd.f32 v32, v31;
	v32 =	vmul.f32 v35, v33  }
0xfc: {  	v35 =	vmul.f32 v22, v16;
	v22 =	vld.idx.msk [tilespmem:v10+s24+$0x0], $0xffff;
	v16 =	vadd.f32 v24, v17;
	v17 =	vmul.f32 v36, v42  }
0xfd: {  	v19 =	vmul.f32 v31, v19;
	v24 =	vld.idx.msk [tilespmem:v11+s24+$0x0], $0xffff;
	v20 =	vadd.f32 v32, v20;
	v31 =	vmul.f32 v37, v30  }
0xfe: {  	v16 =	vmul.f32 v16, v23;
	v23 =	vld.idx.msk [tilespmem:v12+s24+$0x0], $0xffff;
	v17 =	vadd.f32 v17, v25;
	v25 =	vmul.f32 v38, v14  }
0xff: {  	v20 =	vmul.f32 v20, v26;
	v26 =	vld.idx.msk [tilespmem:v13+s24+$0x0], $0xffff;
	v18 =	vadd.f32 v31, v18  }
0x100: {  	v31 =	vmul.f32 v43, v39;
	v17 =	vmul.f32 v17, v27;
	v27 =	vld.idx.msk [tilespmem:v15+s24+$0x0], $0xffff;
	v25 =	vadd.f32 v25, v21  }
0x101: {  	v34 =	vmul.f32 v34, v40;
	v32 =	vld.idx.msk [tilespmem:v8+s21+$0x0], $0xffff;
	v21 =	vmul.f32 v18, v28  }
0x102: {  	v22 =	vmul.f32 v22, v41;
	v28 =	vld.idx.msk [tilespmem:v9+s21+$0x0], $0xffff;
	v18 =	vmul.f32 v25, v29  }
0x103: {  	v29 =	vmul.f32 v24, v33;
	v25 =	vld.idx.msk [tilespmem:v10+s21+$0x0], $0xffff  }
0x104: {  	v23 =	vmul.f32 v23, v42;
	v36 =	vld.idx.msk [tilespmem:v11+s21+$0x0], $0xffff  }
0x105: {  	v38 =	vmul.f32 v26, v30;
	v37 =	vld.idx.msk [tilespmem:v12+s21+$0x0], $0xffff  }
0x106: {  	v44 =	vmul.f32 v27, v14;
	v43 =	vld.idx.msk [tilespmem:v13+s21+$0x0], $0xffff  }
0x107: {  	v24 =	vadd.f32 v31, v32;
	v31 =	vld.idx.msk [tilespmem:v15+s21+$0x0], $0xffff  }
0x108: {  	v32 =	vld.idx.msk [tilespmem:v8+s19+$0x0], $0xffff;
	v8 =	vadd.f32 v34, v28  }
0x109: {  	v24 =	vmul.f32 v24, v39;
	v22 =	vadd.f32 v22, v25;
	v9 =	vld.idx.msk [tilespmem:v9+s19+$0x0], $0xffff  }
.Ltmp0:
0x10a: {  	v27 =	vmul.f32 v8, v40;
	v10 =	vld.idx.msk [tilespmem:v10+s19+$0x0], $0xffff;
	v8 =	vadd.f32 v29, v36;
	(pc) =	sbr.rel @p0 .LBB2_2-.Ltmp0, $4  }
0x10b: {  	v25 =	vmul.f32 v22, v41;
	v22 =	vadd.f32 v23, v37;
	v11 =	vld.idx.msk [tilespmem:v11+s19+$0x0], $0xffff  }
0x10c: {  	v23 =	vadd.f32 v38, v43;
	v26 =	vmul.f32 v8, v33;
	v12 =	vld.idx.msk [tilespmem:v12+s19+$0x0], $0xffff  }
0x10d: {  	v22 =	vmul.f32 v22, v42;
	v8 =	vadd.f32 v44, v31;
	v13 =	vld.idx.msk [tilespmem:v13+s19+$0x0], $0xffff  }
0x10e: {  	s1 =	sadd.s32 $0x80, s1;
	v28 =	vadd.f32 v35, v32;
	v23 =	vmul.f32 v23, v30;
	v15 =	vld.idx.msk [tilespmem:v15+s19+$0x0], $0xffff  }
0x10f: {  	v9 =	vadd.f32 v19, v9  }
0x110: {  	v10 =	vadd.f32 v16, v10;
	v58 =	vadd.f32 v24, v28  }
0x111: {  	v11 =	vadd.f32 v20, v11;
	v9 =	vadd.f32 v27, v9  }
0x112: {  	v10 =	vadd.f32 v25, v10;
	v12 =	vadd.f32 v17, v12;
	[tilespmem:s31+$0xFFFFFFC0] =	vst v58  }
0x113: {  	v59 =	vadd.f32 v26, v11;
	v60 =	vadd.f32 v21, v13;
	[tilespmem:s31+$0xFFFFFFD0] =	vst v9  }
0x114: {  	v8 =	vmul.f32 v8, v14;
	[tilespmem:s31+$0xFFFFFFE0] =	vst v10;
	v61 =	vadd.f32 v22, v12;
	v62 =	vadd.f32 v18, v15  }
0x115: {  	[tilespmem:s31+$0xFFFFFFF0] =	vst v59;
	v63 =	vadd.f32 v23, v60  }
0x116: {  	s28 =	sadd.s32 $0x1, s28;
	[tilespmem:s31+$0x0] =	vst v61;
	v8 =	vadd.f32 v8, v62  }
0x117: {  	p0 =	sne.s32 s28, s9;
	[tilespmem:s31+$0x10] =	vst v63  }
.Ltmp1:
0x118: {  	[tilespmem:s31+$0x20] =	vst v8;
	(pc) =	sbr.rel @p0 .LBB2_1-.Ltmp1, $4  }
0x119: {  	[hbm4b:s8+s4] =	stream.linear.scatter [tilespmem:s25], [sflag:$0x4], $0x800, $0x38;
	[tilespmem:$0x2480] =	vst v63  }
0x11a: {  	_ =	swait.ge [sflag:s26], $0x800  }
0x11b: {  	[sflag:s26] =	ssyncset.done $0x0  }
0x11c: {  	[sflag:s26] =	ssyncadd.s32 $0xFFFFF800  }
0x11d: {  	_ =	sfence.sel $0x180000  }
0x11e: {  	[bflag:$0x0] =	sbarrier.arrive $0xFFFF  }
0x11f: {  	_ =	strace $0x90000047  }
0x120: {  	s0 =	stileid.u32;
	[bflag:$0x2] =	sbarrier.arrive $0xFFFF  }
0x121: {  	p0 =	sne.s32 s0, $0x0;
	s0 =	rddreg [dreg:$0x5]  }
0x122: {  	s0 =	sadd.s32 @!p0 $0x100000, s0  }
0x123: {  	[sflag:s0] =	ssyncadd.tile.s32 @!p0 $0x1;
	_ =	shalt  }
.Lfunc_end2:
_tile_overlayer_lowered:
.L_overlay_start_2:
0x124: {  	(tag) =	ssettag $0x2  }
0x125: {  	s0 =	rddreg [dreg:$0x0];
	s2 =	stileid.u32  }
0x126: {  	s1 =	rddreg [dreg:$0x1];
	p0 =	sne.s32 s2, $0x0  }
0x127: {  	s3 =	rddreg [dreg:$0x2];
	[bflag:$0x3] =	sbarrier.arrive $0xFFFF;
	s2 =	simm.s32 @!p0 $0x1C04  }
0x128: {  	[timem:s3], [sflag:s2] =	dma.local @!p0 [hbm:s0], s1  }
0x129: {  	s0 =	simm.s32 @!p0 $0x4  }
0x12a: {  	_ =	swait.ge @!p0 [sflag:s0], s1  }
0x12b: {  	s1 =	ssub.s32 @!p0 $0x0, s1;
	[sflag:s0] =	ssyncset.done @!p0 $0x0  }
0x12c: {  	[sflag:s0] =	ssyncadd.s32 @!p0 s1  }
0x12d: {  	[bflag:$0x3] =	sbarrier.arrive $0xFFFF  }
0x12e: {  	_ =	shalt  }

</sc_bundles>
